<compile_context>
chip_gen: v7x
topology: tpu7x:2x2x1
jax: 0.10.2.dev20260603
libtpu: 0.0.44.dev20260713+nightly
codegen_flags: <defaults>
</compile_context>

<pallas_src>
import functools

import jax
import jax.numpy as jnp
from jax import lax
from jax.experimental import pallas as pl
from jax.experimental.pallas import tpu as pltpu
from jax.experimental.pallas import tpu_sc as plsc


def _build_kernel(B, S, D, V):
  N = B * S
  NC, NS = 2, 16
  NW = NC * NS
  RPW = N // NW
  G = 128
  C = 512
  GPC = C // G
  NCH = RPW // C
  XROWS = RPW // G
  OSTEP = C % S
  PBL = (S - 1) + C
  PBL += (-PBL) % 8
  assert N % NW == 0 and RPW % C == 0 and C % G == 0 and NCH % 2 == 0
  assert S % 8 == 0 and (PBL % S) % 8 == 0

  mesh = plsc.VectorSubcoreMesh(core_axis_name="c", subcore_axis_name="s")

  @functools.partial(
      pl.kernel,
      mesh=mesh,
      out_type=jax.ShapeDtypeStruct((N, D), jnp.float32),
      scratch_types=dict(
          idx_v=pltpu.VMEM((XROWS, G), jnp.int32),
          pb_v=pltpu.VMEM((PBL, D), jnp.float32),
          rows0=pltpu.VMEM((C, D), jnp.float32),
          rows1=pltpu.VMEM((C, D), jnp.float32),
          obuf0=pltpu.VMEM((C, D), jnp.float32),
          obuf1=pltpu.VMEM((C, D), jnp.float32),
          gsem0=pltpu.SemaphoreType.DMA,
          gsem1=pltpu.SemaphoreType.DMA,
          osem0=pltpu.SemaphoreType.DMA,
          osem1=pltpu.SemaphoreType.DMA,
      ),
      compiler_params=pltpu.CompilerParams(use_tc_tiling_on_sc=False),
  )
  def k(x_hbm, tok_hbm, pos_hbm, out_hbm, *, idx_v, pb_v, rows0, rows1,
        obuf0, obuf1, gsem0, gsem1, osem0, osem1):
    wid = lax.axis_index("s") * NC + lax.axis_index("c")
    ibase = wid * XROWS
    obase = wid * RPW

    pltpu.sync_copy(x_hbm.at[pl.ds(ibase, XROWS)], idx_v)
    for kk in range(PBL // S):
      pltpu.sync_copy(pos_hbm, pb_v.at[pl.ds(kk * S, S)])
    if PBL % S:
      pltpu.sync_copy(pos_hbm.at[pl.ds(0, PBL % S)],
                      pb_v.at[pl.ds((PBL // S) * S, PBL % S)])

    rows = (rows0, rows1)
    obuf = (obuf0, obuf1)
    gsem = (gsem0, gsem1)
    osem = (osem0, osem1)

    def fire_gathers(g, b):
      for jj in range(GPC):
        pltpu.async_copy(
            tok_hbm.at[idx_v.at[g * GPC + jj]],
            rows[b].at[pl.ds(jj * G, G)],
            gsem[b],
        )

    def wait_gathers(b):
      pltpu.make_async_copy(
          out_hbm.at[pl.ds(0, C)], rows[b], gsem[b]).wait()

    def wait_out(b):
      pltpu.make_async_copy(
          obuf[b], out_hbm.at[pl.ds(0, C)], osem[b]).wait()

    fire_gathers(0, 0)
    fire_gathers(1, 1)

    def pair_body(i, o):
      for b in range(2):
        g = 2 * i + b
        rb, ob = rows[b], obuf[b]

        @pl.when(g >= 2)
        def _():
          wait_out(b)

        wait_gathers(b)

        oo = o

        @plsc.parallel_loop(0, C, unroll=8)
        def _(r):
          for h in range(D // 16):
            ob[r, pl.ds(h * 16, 16)] = (
                rb[r, pl.ds(h * 16, 16)] + pb_v[oo + r, pl.ds(h * 16, 16)])

        pltpu.async_copy(ob, out_hbm.at[pl.ds(obase + g * C, C)], osem[b])

        @pl.when(g + 2 < NCH)
        def _():
          fire_gathers(g + 2, b)

        o = jnp.where(o + OSTEP >= S, o + OSTEP - S, o + OSTEP)
      return o

    lax.fori_loop(0, NCH // 2, pair_body, jnp.int32(0))

    wait_out(0)
    wait_out(1)

  return k


def kernel(x, token_table, pos_table):
  B, S = x.shape
  V, D = token_table.shape
  k = _build_kernel(B, S, D, V)
  x2d = x.astype(jnp.int32).reshape(-1, 128)
  out = k(x2d, token_table, pos_table)
  return out.reshape(B, S, D)

# --- scband reference (transcript-rebuilt; emitter-appended) ---
"""Pipeline reference for scband-learned-position-embedding-3607772528775 (READ-ONLY COPY).

The authoritative reference and input builder live on the scoring server;
editing this copy changes nothing except your own understanding.
"""

import jax, jax.numpy as jnp
import numpy as np

VOCAB_SIZE = 1000000
EMBED_DIM = 32
MAX_SEQ_LEN = 200
BATCH = 4096
SEQ_LEN = 200


def setup_inputs(seed: int = 0) -> dict:
    key = jax.random.key(seed)
    k_x, k_tok, k_pos = jax.random.split(key, 3)
    x = jax.random.randint(k_x, (BATCH, SEQ_LEN), 0, VOCAB_SIZE, dtype=jnp.int64 if jax.config.jax_enable_x64 else jnp.int32)
    token_table = jax.random.normal(k_tok, (VOCAB_SIZE, EMBED_DIM), dtype=jnp.float32)
    pos_table = jax.random.normal(k_pos, (MAX_SEQ_LEN, EMBED_DIM), dtype=jnp.float32)
    return {"x": x, "token_table": token_table, "pos_table": pos_table}


def reference(x, token_table, pos_table):
    seq_len = x.shape[1]
    position_ids = jnp.arange(seq_len, dtype=x.dtype)[None, :]
    position_ids = jnp.broadcast_to(position_ids, x.shape)
    token_embeddings = jnp.take(token_table, x, axis=0)
    position_embeddings = jnp.take(pos_table, position_ids, axis=0)
    embeddings = token_embeddings + position_embeddings
    return embeddings

if __name__ == "__main__":
    import jax
    _d = setup_inputs()
    print(jax.jit(kernel)(*tuple(_d.values())))

</pallas_src>

<mosaic_0001>
#map = affine_map<(d0, d1) -> (0, 0)>
module attributes {stable_mosaic.version = 14 : i64} {
  func.func @k(%arg0: i32, %arg1: i32, %arg2: memref<6400x128xi32, #tpu.memory_space<hbm>>, %arg3: memref<1000000x32xf32, #tpu.memory_space<hbm>>, %arg4: memref<200x32xf32, #tpu.memory_space<hbm>>, %arg5: memref<819200x32xf32, #tpu.memory_space<hbm>>, %arg6: memref<!tpu.dma_semaphore, #tpu.memory_space<semaphore_mem>>, %arg7: memref<!tpu.dma_semaphore, #tpu.memory_space<semaphore_mem>>, %arg8: memref<200x128xi32, #tpu.memory_space<vmem>>, %arg9: memref<512x32xf32, #tpu.memory_space<vmem>>, %arg10: memref<512x32xf32, #tpu.memory_space<vmem>>, %arg11: memref<!tpu.dma_semaphore, #tpu.memory_space<semaphore_mem>>, %arg12: memref<!tpu.dma_semaphore, #tpu.memory_space<semaphore_mem>>, %arg13: memref<712x32xf32, #tpu.memory_space<vmem>>, %arg14: memref<512x32xf32, #tpu.memory_space<vmem>>, %arg15: memref<512x32xf32, #tpu.memory_space<vmem>>) attributes {dimension_semantics = [#tpu.dimension_semantics<core_parallel>, #tpu.dimension_semantics<subcore_parallel>], iteration_bounds = array<i64: 2, 16>, scalar_prefetch = 0 : i64, scratch_operands = 10 : i64, tpu.core_type = #tpu.core_type<sc_vector_subcore>, window_params = [{transform_indices = #map}, {transform_indices = #map}, {transform_indices = #map}, {transform_indices = #map}]} {
    %mul3A = arith.constant 2 : i32
    %mul3A_0 = arith.muli %arg1, %mul3A : i32
    %add3A = arith.addi %mul3A_0, %arg0 : i32
    %mul3A_1 = arith.constant 200 : i32
    %mul3A_2 = arith.muli %add3A, %mul3A_1 : i32
    %mul3A_3 = arith.constant 25600 : i32
    %mul3A_4 = arith.muli %add3A, %mul3A_3 : i32
    "tpu.region"() ({
      %run_scoped3A = tpu.sem_alloc : memref<!tpu.dma_semaphore, #tpu.memory_space<semaphore_mem>>
      %dma_start3A_101 = arith.constant 0 : i32
      %dma_start3A_102 = tpu.memref_slice %arg2[%mul3A_2, %dma_start3A_101] : memref<6400x128xi32, #tpu.memory_space<hbm>> -> memref<200x128xi32, #tpu.memory_space<hbm>>
      %dma_start3A_103 = arith.constant 0 : i32
      %dma_start3A_104 = tpu.memref_slice %arg2[%mul3A_2, %dma_start3A_103] : memref<6400x128xi32, #tpu.memory_space<hbm>> -> memref<200x128xi32, #tpu.memory_space<hbm>>
      tpu.enqueue_dma source(%dma_start3A_104 : memref<200x128xi32, #tpu.memory_space<hbm>>) target(%arg8 : memref<200x128xi32, #tpu.memory_space<vmem>>) target_semaphore(%run_scoped3A : memref<!tpu.dma_semaphore, #tpu.memory_space<semaphore_mem>>)
      %dma_wait3A_105 = arith.constant 0 : i32
      %dma_wait3A_106 = tpu.memref_slice %arg2[%mul3A_2, %dma_wait3A_105] : memref<6400x128xi32, #tpu.memory_space<hbm>> -> memref<200x128xi32, #tpu.memory_space<hbm>>
      %dma_wait3A_107 = arith.constant 0 : i32
      %dma_wait3A_108 = tpu.memref_slice %arg2[%mul3A_2, %dma_wait3A_107] : memref<6400x128xi32, #tpu.memory_space<hbm>> -> memref<200x128xi32, #tpu.memory_space<hbm>>
      tpu.wait_dma2 semaphore(%run_scoped3A : memref<!tpu.dma_semaphore, #tpu.memory_space<semaphore_mem>>) src(%dma_wait3A_108 : memref<200x128xi32, #tpu.memory_space<hbm>>) dst(%arg8 : memref<200x128xi32, #tpu.memory_space<vmem>>)
      tpu.yield
    }) : () -> ()
    "tpu.region"() ({
      %run_scoped3A = tpu.sem_alloc : memref<!tpu.dma_semaphore, #tpu.memory_space<semaphore_mem>>
      %dma_start3A_101 = arith.constant 0 : i32
      %dma_start3A_102 = arith.constant 0 : i32
      %dma_start3A_103 = tpu.memref_slice %arg13[%dma_start3A_101, %dma_start3A_102] : memref<712x32xf32, #tpu.memory_space<vmem>> -> memref<200x32xf32, #tpu.memory_space<vmem>>
      %dma_start3A_104 = arith.constant 0 : i32
      %dma_start3A_105 = arith.constant 0 : i32
      %dma_start3A_106 = tpu.memref_slice %arg13[%dma_start3A_104, %dma_start3A_105] : memref<712x32xf32, #tpu.memory_space<vmem>> -> memref<200x32xf32, #tpu.memory_space<vmem>>
      tpu.enqueue_dma source(%arg4 : memref<200x32xf32, #tpu.memory_space<hbm>>) target(%dma_start3A_106 : memref<200x32xf32, #tpu.memory_space<vmem>>) target_semaphore(%run_scoped3A : memref<!tpu.dma_semaphore, #tpu.memory_space<semaphore_mem>>)
      %dma_wait3A_107 = arith.constant 0 : i32
      %dma_wait3A_108 = arith.constant 0 : i32
      %dma_wait3A_109 = tpu.memref_slice %arg13[%dma_wait3A_107, %dma_wait3A_108] : memref<712x32xf32, #tpu.memory_space<vmem>> -> memref<200x32xf32, #tpu.memory_space<vmem>>
      %dma_wait3A_110 = arith.constant 0 : i32
      %dma_wait3A_111 = arith.constant 0 : i32
      %dma_wait3A_112 = tpu.memref_slice %arg13[%dma_wait3A_110, %dma_wait3A_111] : memref<712x32xf32, #tpu.memory_space<vmem>> -> memref<200x32xf32, #tpu.memory_space<vmem>>
      tpu.wait_dma2 semaphore(%run_scoped3A : memref<!tpu.dma_semaphore, #tpu.memory_space<semaphore_mem>>) src(%arg4 : memref<200x32xf32, #tpu.memory_space<hbm>>) dst(%dma_wait3A_112 : memref<200x32xf32, #tpu.memory_space<vmem>>)
      tpu.yield
    }) : () -> ()
    "tpu.region"() ({
      %run_scoped3A = tpu.sem_alloc : memref<!tpu.dma_semaphore, #tpu.memory_space<semaphore_mem>>
      %dma_start3A_101 = arith.constant 200 : i32
      %dma_start3A_102 = arith.constant 0 : i32
      %dma_start3A_103 = tpu.memref_slice %arg13[%dma_start3A_101, %dma_start3A_102] : memref<712x32xf32, #tpu.memory_space<vmem>> -> memref<200x32xf32, #tpu.memory_space<vmem>>
      %dma_start3A_104 = arith.constant 200 : i32
      %dma_start3A_105 = arith.constant 0 : i32
      %dma_start3A_106 = tpu.memref_slice %arg13[%dma_start3A_104, %dma_start3A_105] : memref<712x32xf32, #tpu.memory_space<vmem>> -> memref<200x32xf32, #tpu.memory_space<vmem>>
      tpu.enqueue_dma source(%arg4 : memref<200x32xf32, #tpu.memory_space<hbm>>) target(%dma_start3A_106 : memref<200x32xf32, #tpu.memory_space<vmem>>) target_semaphore(%run_scoped3A : memref<!tpu.dma_semaphore, #tpu.memory_space<semaphore_mem>>)
      %dma_wait3A_107 = arith.constant 200 : i32
      %dma_wait3A_108 = arith.constant 0 : i32
      %dma_wait3A_109 = tpu.memref_slice %arg13[%dma_wait3A_107, %dma_wait3A_108] : memref<712x32xf32, #tpu.memory_space<vmem>> -> memref<200x32xf32, #tpu.memory_space<vmem>>
      %dma_wait3A_110 = arith.constant 200 : i32
      %dma_wait3A_111 = arith.constant 0 : i32
      %dma_wait3A_112 = tpu.memref_slice %arg13[%dma_wait3A_110, %dma_wait3A_111] : memref<712x32xf32, #tpu.memory_space<vmem>> -> memref<200x32xf32, #tpu.memory_space<vmem>>
      tpu.wait_dma2 semaphore(%run_scoped3A : memref<!tpu.dma_semaphore, #tpu.memory_space<semaphore_mem>>) src(%arg4 : memref<200x32xf32, #tpu.memory_space<hbm>>) dst(%dma_wait3A_112 : memref<200x32xf32, #tpu.memory_space<vmem>>)
      tpu.yield
    }) : () -> ()
    "tpu.region"() ({
      %run_scoped3A = tpu.sem_alloc : memref<!tpu.dma_semaphore, #tpu.memory_space<semaphore_mem>>
      %dma_start3A_101 = arith.constant 400 : i32
      %dma_start3A_102 = arith.constant 0 : i32
      %dma_start3A_103 = tpu.memref_slice %arg13[%dma_start3A_101, %dma_start3A_102] : memref<712x32xf32, #tpu.memory_space<vmem>> -> memref<200x32xf32, #tpu.memory_space<vmem>>
      %dma_start3A_104 = arith.constant 400 : i32
      %dma_start3A_105 = arith.constant 0 : i32
      %dma_start3A_106 = tpu.memref_slice %arg13[%dma_start3A_104, %dma_start3A_105] : memref<712x32xf32, #tpu.memory_space<vmem>> -> memref<200x32xf32, #tpu.memory_space<vmem>>
      tpu.enqueue_dma source(%arg4 : memref<200x32xf32, #tpu.memory_space<hbm>>) target(%dma_start3A_106 : memref<200x32xf32, #tpu.memory_space<vmem>>) target_semaphore(%run_scoped3A : memref<!tpu.dma_semaphore, #tpu.memory_space<semaphore_mem>>)
      %dma_wait3A_107 = arith.constant 400 : i32
      %dma_wait3A_108 = arith.constant 0 : i32
      %dma_wait3A_109 = tpu.memref_slice %arg13[%dma_wait3A_107, %dma_wait3A_108] : memref<712x32xf32, #tpu.memory_space<vmem>> -> memref<200x32xf32, #tpu.memory_space<vmem>>
      %dma_wait3A_110 = arith.constant 400 : i32
      %dma_wait3A_111 = arith.constant 0 : i32
      %dma_wait3A_112 = tpu.memref_slice %arg13[%dma_wait3A_110, %dma_wait3A_111] : memref<712x32xf32, #tpu.memory_space<vmem>> -> memref<200x32xf32, #tpu.memory_space<vmem>>
      tpu.wait_dma2 semaphore(%run_scoped3A : memref<!tpu.dma_semaphore, #tpu.memory_space<semaphore_mem>>) src(%arg4 : memref<200x32xf32, #tpu.memory_space<hbm>>) dst(%dma_wait3A_112 : memref<200x32xf32, #tpu.memory_space<vmem>>)
      tpu.yield
    }) : () -> ()
    "tpu.region"() ({
      %run_scoped3A = tpu.sem_alloc : memref<!tpu.dma_semaphore, #tpu.memory_space<semaphore_mem>>
      %dma_start3A_101 = arith.constant 600 : i32
      %dma_start3A_102 = arith.constant 0 : i32
      %dma_start3A_103 = tpu.memref_slice %arg13[%dma_start3A_101, %dma_start3A_102] : memref<712x32xf32, #tpu.memory_space<vmem>> -> memref<112x32xf32, #tpu.memory_space<vmem>>
      %dma_start3A_104 = arith.constant 0 : i32
      %dma_start3A_105 = arith.constant 0 : i32
      %dma_start3A_106 = tpu.memref_slice %arg4[%dma_start3A_104, %dma_start3A_105] : memref<200x32xf32, #tpu.memory_space<hbm>> -> memref<112x32xf32, #tpu.memory_space<hbm>>
      %dma_start3A_107 = arith.constant 600 : i32
      %dma_start3A_108 = arith.constant 0 : i32
      %dma_start3A_109 = tpu.memref_slice %arg13[%dma_start3A_107, %dma_start3A_108] : memref<712x32xf32, #tpu.memory_space<vmem>> -> memref<112x32xf32, #tpu.memory_space<vmem>>
      %dma_start3A_110 = arith.constant 0 : i32
      %dma_start3A_111 = arith.constant 0 : i32
      %dma_start3A_112 = tpu.memref_slice %arg4[%dma_start3A_110, %dma_start3A_111] : memref<200x32xf32, #tpu.memory_space<hbm>> -> memref<112x32xf32, #tpu.memory_space<hbm>>
      tpu.enqueue_dma source(%dma_start3A_112 : memref<112x32xf32, #tpu.memory_space<hbm>>) target(%dma_start3A_109 : memref<112x32xf32, #tpu.memory_space<vmem>>) target_semaphore(%run_scoped3A : memref<!tpu.dma_semaphore, #tpu.memory_space<semaphore_mem>>)
      %dma_wait3A_113 = arith.constant 600 : i32
      %dma_wait3A_114 = arith.constant 0 : i32
      %dma_wait3A_115 = tpu.memref_slice %arg13[%dma_wait3A_113, %dma_wait3A_114] : memref<712x32xf32, #tpu.memory_space<vmem>> -> memref<112x32xf32, #tpu.memory_space<vmem>>
      %dma_wait3A_116 = arith.constant 0 : i32
      %dma_wait3A_117 = arith.constant 0 : i32
      %dma_wait3A_118 = tpu.memref_slice %arg4[%dma_wait3A_116, %dma_wait3A_117] : memref<200x32xf32, #tpu.memory_space<hbm>> -> memref<112x32xf32, #tpu.memory_space<hbm>>
      %dma_wait3A_119 = arith.constant 600 : i32
      %dma_wait3A_120 = arith.constant 0 : i32
      %dma_wait3A_121 = tpu.memref_slice %arg13[%dma_wait3A_119, %dma_wait3A_120] : memref<712x32xf32, #tpu.memory_space<vmem>> -> memref<112x32xf32, #tpu.memory_space<vmem>>
      %dma_wait3A_122 = arith.constant 0 : i32
      %dma_wait3A_123 = arith.constant 0 : i32
      %dma_wait3A_124 = tpu.memref_slice %arg4[%dma_wait3A_122, %dma_wait3A_123] : memref<200x32xf32, #tpu.memory_space<hbm>> -> memref<112x32xf32, #tpu.memory_space<hbm>>
      tpu.wait_dma2 semaphore(%run_scoped3A : memref<!tpu.dma_semaphore, #tpu.memory_space<semaphore_mem>>) src(%dma_wait3A_124 : memref<112x32xf32, #tpu.memory_space<hbm>>) dst(%dma_wait3A_121 : memref<112x32xf32, #tpu.memory_space<vmem>>)
      tpu.yield
    }) : () -> ()
    %dma_start3A = arith.constant 0 : i32
    %dma_start3A_5 = arith.constant 0 : i32
    %dma_start3A_6 = arith.constant 0 : i32
    %dma_start3A_7 = tpu.memref_slice %arg14[%dma_start3A_5, %dma_start3A_6] : memref<512x32xf32, #tpu.memory_space<vmem>> -> memref<128x32xf32, #tpu.memory_space<vmem>>
    %dma_start3A_8 = arith.constant 0 : i32
    %dma_start3A_9 = tpu.memref_slice %arg8[%dma_start3A, %dma_start3A_8] : memref<200x128xi32, #tpu.memory_space<vmem>> -> memref<1x128xi32, #tpu.memory_space<vmem>>
    %dma_start3A_10 = tpu.memref_squeeze %dma_start3A_9 : memref<1x128xi32, #tpu.memory_space<vmem>> -> memref<128xi32, #tpu.memory_space<vmem>>
    %dma_start3A_11 = arith.constant 0 : i32
    %dma_start3A_12 = arith.constant 0 : i32
    %dma_start3A_13 = tpu.memref_slice %arg3[%dma_start3A_11, %dma_start3A_12] : memref<1000000x32xf32, #tpu.memory_space<hbm>> -> memref<1000000x32xf32, #tpu.memory_space<hbm>>
    tpu.enqueue_indirect_dma source(%dma_start3A_13 : memref<1000000x32xf32, #tpu.memory_space<hbm>>) target(%dma_start3A_7 : memref<128x32xf32, #tpu.memory_space<vmem>>) offsets(%dma_start3A_10 : memref<128xi32, #tpu.memory_space<vmem>>) semaphore(%arg6 : memref<!tpu.dma_semaphore, #tpu.memory_space<semaphore_mem>>)
    %dma_start3A_14 = arith.constant 1 : i32
    %dma_start3A_15 = arith.constant 128 : i32
    %dma_start3A_16 = arith.constant 0 : i32
    %dma_start3A_17 = tpu.memref_slice %arg14[%dma_start3A_15, %dma_start3A_16] : memref<512x32xf32, #tpu.memory_space<vmem>> -> memref<128x32xf32, #tpu.memory_space<vmem>>
    %dma_start3A_18 = arith.constant 0 : i32
    %dma_start3A_19 = tpu.memref_slice %arg8[%dma_start3A_14, %dma_start3A_18] : memref<200x128xi32, #tpu.memory_space<vmem>> -> memref<1x128xi32, #tpu.memory_space<vmem>>
    %dma_start3A_20 = tpu.memref_squeeze %dma_start3A_19 : memref<1x128xi32, #tpu.memory_space<vmem>> -> memref<128xi32, #tpu.memory_space<vmem>>
    %dma_start3A_21 = arith.constant 0 : i32
    %dma_start3A_22 = arith.constant 0 : i32
    %dma_start3A_23 = tpu.memref_slice %arg3[%dma_start3A_21, %dma_start3A_22] : memref<1000000x32xf32, #tpu.memory_space<hbm>> -> memref<1000000x32xf32, #tpu.memory_space<hbm>>
    tpu.enqueue_indirect_dma source(%dma_start3A_23 : memref<1000000x32xf32, #tpu.memory_space<hbm>>) target(%dma_start3A_17 : memref<128x32xf32, #tpu.memory_space<vmem>>) offsets(%dma_start3A_20 : memref<128xi32, #tpu.memory_space<vmem>>) semaphore(%arg6 : memref<!tpu.dma_semaphore, #tpu.memory_space<semaphore_mem>>)
    %dma_start3A_24 = arith.constant 2 : i32
    %dma_start3A_25 = arith.constant 256 : i32
    %dma_start3A_26 = arith.constant 0 : i32
    %dma_start3A_27 = tpu.memref_slice %arg14[%dma_start3A_25, %dma_start3A_26] : memref<512x32xf32, #tpu.memory_space<vmem>> -> memref<128x32xf32, #tpu.memory_space<vmem>>
    %dma_start3A_28 = arith.constant 0 : i32
    %dma_start3A_29 = tpu.memref_slice %arg8[%dma_start3A_24, %dma_start3A_28] : memref<200x128xi32, #tpu.memory_space<vmem>> -> memref<1x128xi32, #tpu.memory_space<vmem>>
    %dma_start3A_30 = tpu.memref_squeeze %dma_start3A_29 : memref<1x128xi32, #tpu.memory_space<vmem>> -> memref<128xi32, #tpu.memory_space<vmem>>
    %dma_start3A_31 = arith.constant 0 : i32
    %dma_start3A_32 = arith.constant 0 : i32
    %dma_start3A_33 = tpu.memref_slice %arg3[%dma_start3A_31, %dma_start3A_32] : memref<1000000x32xf32, #tpu.memory_space<hbm>> -> memref<1000000x32xf32, #tpu.memory_space<hbm>>
    tpu.enqueue_indirect_dma source(%dma_start3A_33 : memref<1000000x32xf32, #tpu.memory_space<hbm>>) target(%dma_start3A_27 : memref<128x32xf32, #tpu.memory_space<vmem>>) offsets(%dma_start3A_30 : memref<128xi32, #tpu.memory_space<vmem>>) semaphore(%arg6 : memref<!tpu.dma_semaphore, #tpu.memory_space<semaphore_mem>>)
    %dma_start3A_34 = arith.constant 3 : i32
    %dma_start3A_35 = arith.constant 384 : i32
    %dma_start3A_36 = arith.constant 0 : i32
    %dma_start3A_37 = tpu.memref_slice %arg14[%dma_start3A_35, %dma_start3A_36] : memref<512x32xf32, #tpu.memory_space<vmem>> -> memref<128x32xf32, #tpu.memory_space<vmem>>
    %dma_start3A_38 = arith.constant 0 : i32
    %dma_start3A_39 = tpu.memref_slice %arg8[%dma_start3A_34, %dma_start3A_38] : memref<200x128xi32, #tpu.memory_space<vmem>> -> memref<1x128xi32, #tpu.memory_space<vmem>>
    %dma_start3A_40 = tpu.memref_squeeze %dma_start3A_39 : memref<1x128xi32, #tpu.memory_space<vmem>> -> memref<128xi32, #tpu.memory_space<vmem>>
    %dma_start3A_41 = arith.constant 0 : i32
    %dma_start3A_42 = arith.constant 0 : i32
    %dma_start3A_43 = tpu.memref_slice %arg3[%dma_start3A_41, %dma_start3A_42] : memref<1000000x32xf32, #tpu.memory_space<hbm>> -> memref<1000000x32xf32, #tpu.memory_space<hbm>>
    tpu.enqueue_indirect_dma source(%dma_start3A_43 : memref<1000000x32xf32, #tpu.memory_space<hbm>>) target(%dma_start3A_37 : memref<128x32xf32, #tpu.memory_space<vmem>>) offsets(%dma_start3A_40 : memref<128xi32, #tpu.memory_space<vmem>>) semaphore(%arg6 : memref<!tpu.dma_semaphore, #tpu.memory_space<semaphore_mem>>)
    %dma_start3A_44 = arith.constant 4 : i32
    %dma_start3A_45 = arith.constant 0 : i32
    %dma_start3A_46 = arith.constant 0 : i32
    %dma_start3A_47 = tpu.memref_slice %arg15[%dma_start3A_45, %dma_start3A_46] : memref<512x32xf32, #tpu.memory_space<vmem>> -> memref<128x32xf32, #tpu.memory_space<vmem>>
    %dma_start3A_48 = arith.constant 0 : i32
    %dma_start3A_49 = tpu.memref_slice %arg8[%dma_start3A_44, %dma_start3A_48] : memref<200x128xi32, #tpu.memory_space<vmem>> -> memref<1x128xi32, #tpu.memory_space<vmem>>
    %dma_start3A_50 = tpu.memref_squeeze %dma_start3A_49 : memref<1x128xi32, #tpu.memory_space<vmem>> -> memref<128xi32, #tpu.memory_space<vmem>>
    %dma_start3A_51 = arith.constant 0 : i32
    %dma_start3A_52 = arith.constant 0 : i32
    %dma_start3A_53 = tpu.memref_slice %arg3[%dma_start3A_51, %dma_start3A_52] : memref<1000000x32xf32, #tpu.memory_space<hbm>> -> memref<1000000x32xf32, #tpu.memory_space<hbm>>
    tpu.enqueue_indirect_dma source(%dma_start3A_53 : memref<1000000x32xf32, #tpu.memory_space<hbm>>) target(%dma_start3A_47 : memref<128x32xf32, #tpu.memory_space<vmem>>) offsets(%dma_start3A_50 : memref<128xi32, #tpu.memory_space<vmem>>) semaphore(%arg7 : memref<!tpu.dma_semaphore, #tpu.memory_space<semaphore_mem>>)
    %dma_start3A_54 = arith.constant 5 : i32
    %dma_start3A_55 = arith.constant 128 : i32
    %dma_start3A_56 = arith.constant 0 : i32
    %dma_start3A_57 = tpu.memref_slice %arg15[%dma_start3A_55, %dma_start3A_56] : memref<512x32xf32, #tpu.memory_space<vmem>> -> memref<128x32xf32, #tpu.memory_space<vmem>>
    %dma_start3A_58 = arith.constant 0 : i32
    %dma_start3A_59 = tpu.memref_slice %arg8[%dma_start3A_54, %dma_start3A_58] : memref<200x128xi32, #tpu.memory_space<vmem>> -> memref<1x128xi32, #tpu.memory_space<vmem>>
    %dma_start3A_60 = tpu.memref_squeeze %dma_start3A_59 : memref<1x128xi32, #tpu.memory_space<vmem>> -> memref<128xi32, #tpu.memory_space<vmem>>
    %dma_start3A_61 = arith.constant 0 : i32
    %dma_start3A_62 = arith.constant 0 : i32
    %dma_start3A_63 = tpu.memref_slice %arg3[%dma_start3A_61, %dma_start3A_62] : memref<1000000x32xf32, #tpu.memory_space<hbm>> -> memref<1000000x32xf32, #tpu.memory_space<hbm>>
    tpu.enqueue_indirect_dma source(%dma_start3A_63 : memref<1000000x32xf32, #tpu.memory_space<hbm>>) target(%dma_start3A_57 : memref<128x32xf32, #tpu.memory_space<vmem>>) offsets(%dma_start3A_60 : memref<128xi32, #tpu.memory_space<vmem>>) semaphore(%arg7 : memref<!tpu.dma_semaphore, #tpu.memory_space<semaphore_mem>>)
    %dma_start3A_64 = arith.constant 6 : i32
    %dma_start3A_65 = arith.constant 256 : i32
    %dma_start3A_66 = arith.constant 0 : i32
    %dma_start3A_67 = tpu.memref_slice %arg15[%dma_start3A_65, %dma_start3A_66] : memref<512x32xf32, #tpu.memory_space<vmem>> -> memref<128x32xf32, #tpu.memory_space<vmem>>
    %dma_start3A_68 = arith.constant 0 : i32
    %dma_start3A_69 = tpu.memref_slice %arg8[%dma_start3A_64, %dma_start3A_68] : memref<200x128xi32, #tpu.memory_space<vmem>> -> memref<1x128xi32, #tpu.memory_space<vmem>>
    %dma_start3A_70 = tpu.memref_squeeze %dma_start3A_69 : memref<1x128xi32, #tpu.memory_space<vmem>> -> memref<128xi32, #tpu.memory_space<vmem>>
    %dma_start3A_71 = arith.constant 0 : i32
    %dma_start3A_72 = arith.constant 0 : i32
    %dma_start3A_73 = tpu.memref_slice %arg3[%dma_start3A_71, %dma_start3A_72] : memref<1000000x32xf32, #tpu.memory_space<hbm>> -> memref<1000000x32xf32, #tpu.memory_space<hbm>>
    tpu.enqueue_indirect_dma source(%dma_start3A_73 : memref<1000000x32xf32, #tpu.memory_space<hbm>>) target(%dma_start3A_67 : memref<128x32xf32, #tpu.memory_space<vmem>>) offsets(%dma_start3A_70 : memref<128xi32, #tpu.memory_space<vmem>>) semaphore(%arg7 : memref<!tpu.dma_semaphore, #tpu.memory_space<semaphore_mem>>)
    %dma_start3A_74 = arith.constant 7 : i32
    %dma_start3A_75 = arith.constant 384 : i32
    %dma_start3A_76 = arith.constant 0 : i32
    %dma_start3A_77 = tpu.memref_slice %arg15[%dma_start3A_75, %dma_start3A_76] : memref<512x32xf32, #tpu.memory_space<vmem>> -> memref<128x32xf32, #tpu.memory_space<vmem>>
    %dma_start3A_78 = arith.constant 0 : i32
    %dma_start3A_79 = tpu.memref_slice %arg8[%dma_start3A_74, %dma_start3A_78] : memref<200x128xi32, #tpu.memory_space<vmem>> -> memref<1x128xi32, #tpu.memory_space<vmem>>
    %dma_start3A_80 = tpu.memref_squeeze %dma_start3A_79 : memref<1x128xi32, #tpu.memory_space<vmem>> -> memref<128xi32, #tpu.memory_space<vmem>>
    %dma_start3A_81 = arith.constant 0 : i32
    %dma_start3A_82 = arith.constant 0 : i32
    %dma_start3A_83 = tpu.memref_slice %arg3[%dma_start3A_81, %dma_start3A_82] : memref<1000000x32xf32, #tpu.memory_space<hbm>> -> memref<1000000x32xf32, #tpu.memory_space<hbm>>
    tpu.enqueue_indirect_dma source(%dma_start3A_83 : memref<1000000x32xf32, #tpu.memory_space<hbm>>) target(%dma_start3A_77 : memref<128x32xf32, #tpu.memory_space<vmem>>) offsets(%dma_start3A_80 : memref<128xi32, #tpu.memory_space<vmem>>) semaphore(%arg7 : memref<!tpu.dma_semaphore, #tpu.memory_space<semaphore_mem>>)
    %scan3A = arith.constant 0 : i32
    %scan3A_84 = arith.constant 0 : i32
    %scan3A_85 = arith.constant 25 : i32
    %scan3A_86 = arith.addi %scan3A_84, %scan3A_85 : i32
    %scan3A_87 = arith.constant 1 : i32
    %scan3A_88 = scf.for %scan3A_101 = %scan3A_84 to %scan3A_86 step %scan3A_87 iter_args(%scan3A_102 = %scan3A) -> (i32)  : i32 {
      %mul3A_103 = arith.constant 2 : i32
      %mul3A_104 = arith.muli %mul3A_103, %scan3A_101 : i32
      %add3A_105 = arith.constant 0 : i32
      %add3A_106 = arith.addi %mul3A_104, %add3A_105 : i32
      %ge3A = arith.constant 2 : i32
      %ge3A_107 = arith.cmpi sge, %add3A_106, %ge3A : i32
      %convert_element_type3A = arith.extui %ge3A_107 : i1 to i32
      %cond3A = arith.constant 0 : i32
      %cond3A_108 = arith.cmpi ne, %convert_element_type3A, %cond3A : i32
      scf.if %cond3A_108 {
        %dma_wait3A_182 = arith.constant 0 : i32
        %dma_wait3A_183 = arith.constant 0 : i32
        %dma_wait3A_184 = tpu.memref_slice %arg5[%dma_wait3A_182, %dma_wait3A_183] : memref<819200x32xf32, #tpu.memory_space<hbm>> -> memref<512x32xf32, #tpu.memory_space<hbm>>
        %dma_wait3A_185 = arith.constant 0 : i32
        %dma_wait3A_186 = arith.constant 0 : i32
        %dma_wait3A_187 = tpu.memref_slice %arg5[%dma_wait3A_185, %dma_wait3A_186] : memref<819200x32xf32, #tpu.memory_space<hbm>> -> memref<512x32xf32, #tpu.memory_space<hbm>>
        tpu.wait_dma2 semaphore(%arg11 : memref<!tpu.dma_semaphore, #tpu.memory_space<semaphore_mem>>) src(%arg9 : memref<512x32xf32, #tpu.memory_space<vmem>>) dst(%dma_wait3A_187 : memref<512x32xf32, #tpu.memory_space<hbm>>)
      } else {
      }
      %dma_wait3A_109 = arith.constant 0 : i32
      %dma_wait3A_110 = arith.constant 0 : i32
      %dma_wait3A_111 = tpu.memref_slice %arg5[%dma_wait3A_109, %dma_wait3A_110] : memref<819200x32xf32, #tpu.memory_space<hbm>> -> memref<512x32xf32, #tpu.memory_space<hbm>>
      %dma_wait3A_112 = arith.constant 0 : i32
      %dma_wait3A_113 = arith.constant 0 : i32
      %dma_wait3A_114 = tpu.memref_slice %arg5[%dma_wait3A_112, %dma_wait3A_113] : memref<819200x32xf32, #tpu.memory_space<hbm>> -> memref<512x32xf32, #tpu.memory_space<hbm>>
      tpu.wait_dma2 semaphore(%arg6 : memref<!tpu.dma_semaphore, #tpu.memory_space<semaphore_mem>>) src(%dma_wait3A_114 : memref<512x32xf32, #tpu.memory_space<hbm>>) dst(%arg14 : memref<512x32xf32, #tpu.memory_space<vmem>>)
      %parallel_loop3A = arith.constant 0 : i32
      %parallel_loop3A_115 = arith.constant 512 : i32
      %parallel_loop3A_116 = arith.constant 1 : i32
      scf.for %parallel_loop3A_182 = %parallel_loop3A to %parallel_loop3A_115 step %parallel_loop3A_116  : i32 {
        %parallel_loop3A_183 = arith.index_cast %parallel_loop3A_182 : i32 to index
        %parallel_loop3A_184 = arith.constant 0 : index
        %parallel_loop3A_185 = tpu.vector_load %arg14[%parallel_loop3A_183, %parallel_loop3A_184] {strides = array<i32>} : memref<512x32xf32, #tpu.memory_space<vmem>>, vector<1x16xf32>,
        %parallel_loop3A_186 = vector.shape_cast %parallel_loop3A_185 : vector<1x16xf32> to vector<16xf32>
        %parallel_loop3A_187 = arith.addi %scan3A_102, %parallel_loop3A_182 : i32
        %parallel_loop3A_188 = arith.index_cast %parallel_loop3A_187 : i32 to index
        %parallel_loop3A_189 = arith.constant 0 : index
        %parallel_loop3A_190 = tpu.vector_load %arg13[%parallel_loop3A_188, %parallel_loop3A_189] {strides = array<i32>} : memref<712x32xf32, #tpu.memory_space<vmem>>, vector<1x16xf32>,
        %parallel_loop3A_191 = vector.shape_cast %parallel_loop3A_190 : vector<1x16xf32> to vector<16xf32>
        %parallel_loop3A_192 = arith.addf %parallel_loop3A_186, %parallel_loop3A_191 : vector<16xf32>
        %parallel_loop3A_193 = arith.index_cast %parallel_loop3A_182 : i32 to index
        %parallel_loop3A_194 = arith.constant 0 : index
        %parallel_loop3A_195 = tpu.vector_load %arg9[%parallel_loop3A_193, %parallel_loop3A_194] {strides = array<i32>} : memref<512x32xf32, #tpu.memory_space<vmem>>, vector<1x16xf32>,
        %parallel_loop3A_196 = vector.shape_cast %parallel_loop3A_195 : vector<1x16xf32> to vector<16xf32>
        %parallel_loop3A_197 = vector.shape_cast %parallel_loop3A_192 : vector<16xf32> to vector<1x16xf32>
        tpu.vector_store %arg9[%parallel_loop3A_193, %parallel_loop3A_194], %parallel_loop3A_197 {strides = array<i32>} : memref<512x32xf32, #tpu.memory_space<vmem>>, vector<1x16xf32>,
        %parallel_loop3A_198 = arith.index_cast %parallel_loop3A_182 : i32 to index
        %parallel_loop3A_199 = arith.constant 16 : index
        %parallel_loop3A_200 = tpu.vector_load %arg14[%parallel_loop3A_198, %parallel_loop3A_199] {strides = array<i32>} : memref<512x32xf32, #tpu.memory_space<vmem>>, vector<1x16xf32>,
        %parallel_loop3A_201 = vector.shape_cast %parallel_loop3A_200 : vector<1x16xf32> to vector<16xf32>
        %parallel_loop3A_202 = arith.addi %scan3A_102, %parallel_loop3A_182 : i32
        %parallel_loop3A_203 = arith.index_cast %parallel_loop3A_202 : i32 to index
        %parallel_loop3A_204 = arith.constant 16 : index
        %parallel_loop3A_205 = tpu.vector_load %arg13[%parallel_loop3A_203, %parallel_loop3A_204] {strides = array<i32>} : memref<712x32xf32, #tpu.memory_space<vmem>>, vector<1x16xf32>,
        %parallel_loop3A_206 = vector.shape_cast %parallel_loop3A_205 : vector<1x16xf32> to vector<16xf32>
        %parallel_loop3A_207 = arith.addf %parallel_loop3A_201, %parallel_loop3A_206 : vector<16xf32>
        %parallel_loop3A_208 = arith.index_cast %parallel_loop3A_182 : i32 to index
        %parallel_loop3A_209 = arith.constant 16 : index
        %parallel_loop3A_210 = tpu.vector_load %arg9[%parallel_loop3A_208, %parallel_loop3A_209] {strides = array<i32>} : memref<512x32xf32, #tpu.memory_space<vmem>>, vector<1x16xf32>,
        %parallel_loop3A_211 = vector.shape_cast %parallel_loop3A_210 : vector<1x16xf32> to vector<16xf32>
        %parallel_loop3A_212 = vector.shape_cast %parallel_loop3A_207 : vector<16xf32> to vector<1x16xf32>
        tpu.vector_store %arg9[%parallel_loop3A_208, %parallel_loop3A_209], %parallel_loop3A_212 {strides = array<i32>} : memref<512x32xf32, #tpu.memory_space<vmem>>, vector<1x16xf32>,
      } {sc.loop_unroll_factor = 8 : i64, sc.parallel_access}
      %mul3A_117 = arith.constant 512 : i32
      %mul3A_118 = arith.muli %add3A_106, %mul3A_117 : i32
      %add3A_119 = arith.addi %mul3A_4, %mul3A_118 : i32
      %dma_start3A_120 = arith.constant 0 : i32
      %dma_start3A_121 = tpu.memref_slice %arg5[%add3A_119, %dma_start3A_120] : memref<819200x32xf32, #tpu.memory_space<hbm>> -> memref<512x32xf32, #tpu.memory_space<hbm>>
      %dma_start3A_122 = arith.constant 0 : i32
      %dma_start3A_123 = tpu.memref_slice %arg5[%add3A_119, %dma_start3A_122] : memref<819200x32xf32, #tpu.memory_space<hbm>> -> memref<512x32xf32, #tpu.memory_space<hbm>>
      tpu.enqueue_dma source(%arg9 : memref<512x32xf32, #tpu.memory_space<vmem>>) target(%dma_start3A_123 : memref<512x32xf32, #tpu.memory_space<hbm>>) target_semaphore(%arg11 : memref<!tpu.dma_semaphore, #tpu.memory_space<semaphore_mem>>)
      %add3A_124 = arith.constant 2 : i32
      %add3A_125 = arith.addi %add3A_106, %add3A_124 : i32
      %lt3A = arith.constant 50 : i32
      %lt3A_126 = arith.cmpi slt, %add3A_125, %lt3A : i32
      %convert_element_type3A_127 = arith.extui %lt3A_126 : i1 to i32
      %cond3A_128 = arith.constant 0 : i32
      %cond3A_129 = arith.cmpi ne, %convert_element_type3A_127, %cond3A_128 : i32
      scf.if %cond3A_129 {
        %add3A_182 = arith.constant 2 : i32
        %add3A_183 = arith.addi %add3A_106, %add3A_182 : i32
        %mul3A_184 = arith.constant 4 : i32
        %mul3A_185 = arith.muli %add3A_183, %mul3A_184 : i32
        %add3A_186 = arith.constant 0 : i32
        %add3A_187 = arith.addi %mul3A_185, %add3A_186 : i32
        %dma_start3A_188 = arith.constant 0 : i32
        %dma_start3A_189 = arith.constant 0 : i32
        %dma_start3A_190 = tpu.memref_slice %arg14[%dma_start3A_188, %dma_start3A_189] : memref<512x32xf32, #tpu.memory_space<vmem>> -> memref<128x32xf32, #tpu.memory_space<vmem>>
        %dma_start3A_191 = arith.constant 0 : i32
        %dma_start3A_192 = tpu.memref_slice %arg8[%add3A_187, %dma_start3A_191] : memref<200x128xi32, #tpu.memory_space<vmem>> -> memref<1x128xi32, #tpu.memory_space<vmem>>
        %dma_start3A_193 = tpu.memref_squeeze %dma_start3A_192 : memref<1x128xi32, #tpu.memory_space<vmem>> -> memref<128xi32, #tpu.memory_space<vmem>>
        %dma_start3A_194 = arith.constant 0 : i32
        %dma_start3A_195 = arith.constant 0 : i32
        %dma_start3A_196 = tpu.memref_slice %arg3[%dma_start3A_194, %dma_start3A_195] : memref<1000000x32xf32, #tpu.memory_space<hbm>> -> memref<1000000x32xf32, #tpu.memory_space<hbm>>
        tpu.enqueue_indirect_dma source(%dma_start3A_196 : memref<1000000x32xf32, #tpu.memory_space<hbm>>) target(%dma_start3A_190 : memref<128x32xf32, #tpu.memory_space<vmem>>) offsets(%dma_start3A_193 : memref<128xi32, #tpu.memory_space<vmem>>) semaphore(%arg6 : memref<!tpu.dma_semaphore, #tpu.memory_space<semaphore_mem>>)
        %mul3A_197 = arith.constant 4 : i32
        %mul3A_198 = arith.muli %add3A_183, %mul3A_197 : i32
        %add3A_199 = arith.constant 1 : i32
        %add3A_200 = arith.addi %mul3A_198, %add3A_199 : i32
        %dma_start3A_201 = arith.constant 128 : i32
        %dma_start3A_202 = arith.constant 0 : i32
        %dma_start3A_203 = tpu.memref_slice %arg14[%dma_start3A_201, %dma_start3A_202] : memref<512x32xf32, #tpu.memory_space<vmem>> -> memref<128x32xf32, #tpu.memory_space<vmem>>
        %dma_start3A_204 = arith.constant 0 : i32
        %dma_start3A_205 = tpu.memref_slice %arg8[%add3A_200, %dma_start3A_204] : memref<200x128xi32, #tpu.memory_space<vmem>> -> memref<1x128xi32, #tpu.memory_space<vmem>>
        %dma_start3A_206 = tpu.memref_squeeze %dma_start3A_205 : memref<1x128xi32, #tpu.memory_space<vmem>> -> memref<128xi32, #tpu.memory_space<vmem>>
        %dma_start3A_207 = arith.constant 0 : i32
        %dma_start3A_208 = arith.constant 0 : i32
        %dma_start3A_209 = tpu.memref_slice %arg3[%dma_start3A_207, %dma_start3A_208] : memref<1000000x32xf32, #tpu.memory_space<hbm>> -> memref<1000000x32xf32, #tpu.memory_space<hbm>>
        tpu.enqueue_indirect_dma source(%dma_start3A_209 : memref<1000000x32xf32, #tpu.memory_space<hbm>>) target(%dma_start3A_203 : memref<128x32xf32, #tpu.memory_space<vmem>>) offsets(%dma_start3A_206 : memref<128xi32, #tpu.memory_space<vmem>>) semaphore(%arg6 : memref<!tpu.dma_semaphore, #tpu.memory_space<semaphore_mem>>)
        %mul3A_210 = arith.constant 4 : i32
        %mul3A_211 = arith.muli %add3A_183, %mul3A_210 : i32
        %add3A_212 = arith.constant 2 : i32
        %add3A_213 = arith.addi %mul3A_211, %add3A_212 : i32
        %dma_start3A_214 = arith.constant 256 : i32
        %dma_start3A_215 = arith.constant 0 : i32
        %dma_start3A_216 = tpu.memref_slice %arg14[%dma_start3A_214, %dma_start3A_215] : memref<512x32xf32, #tpu.memory_space<vmem>> -> memref<128x32xf32, #tpu.memory_space<vmem>>
        %dma_start3A_217 = arith.constant 0 : i32
        %dma_start3A_218 = tpu.memref_slice %arg8[%add3A_213, %dma_start3A_217] : memref<200x128xi32, #tpu.memory_space<vmem>> -> memref<1x128xi32, #tpu.memory_space<vmem>>
        %dma_start3A_219 = tpu.memref_squeeze %dma_start3A_218 : memref<1x128xi32, #tpu.memory_space<vmem>> -> memref<128xi32, #tpu.memory_space<vmem>>
        %dma_start3A_220 = arith.constant 0 : i32
        %dma_start3A_221 = arith.constant 0 : i32
        %dma_start3A_222 = tpu.memref_slice %arg3[%dma_start3A_220, %dma_start3A_221] : memref<1000000x32xf32, #tpu.memory_space<hbm>> -> memref<1000000x32xf32, #tpu.memory_space<hbm>>
        tpu.enqueue_indirect_dma source(%dma_start3A_222 : memref<1000000x32xf32, #tpu.memory_space<hbm>>) target(%dma_start3A_216 : memref<128x32xf32, #tpu.memory_space<vmem>>) offsets(%dma_start3A_219 : memref<128xi32, #tpu.memory_space<vmem>>) semaphore(%arg6 : memref<!tpu.dma_semaphore, #tpu.memory_space<semaphore_mem>>)
        %mul3A_223 = arith.constant 4 : i32
        %mul3A_224 = arith.muli %add3A_183, %mul3A_223 : i32
        %add3A_225 = arith.constant 3 : i32
        %add3A_226 = arith.addi %mul3A_224, %add3A_225 : i32
        %dma_start3A_227 = arith.constant 384 : i32
        %dma_start3A_228 = arith.constant 0 : i32
        %dma_start3A_229 = tpu.memref_slice %arg14[%dma_start3A_227, %dma_start3A_228] : memref<512x32xf32, #tpu.memory_space<vmem>> -> memref<128x32xf32, #tpu.memory_space<vmem>>
        %dma_start3A_230 = arith.constant 0 : i32
        %dma_start3A_231 = tpu.memref_slice %arg8[%add3A_226, %dma_start3A_230] : memref<200x128xi32, #tpu.memory_space<vmem>> -> memref<1x128xi32, #tpu.memory_space<vmem>>
        %dma_start3A_232 = tpu.memref_squeeze %dma_start3A_231 : memref<1x128xi32, #tpu.memory_space<vmem>> -> memref<128xi32, #tpu.memory_space<vmem>>
        %dma_start3A_233 = arith.constant 0 : i32
        %dma_start3A_234 = arith.constant 0 : i32
        %dma_start3A_235 = tpu.memref_slice %arg3[%dma_start3A_233, %dma_start3A_234] : memref<1000000x32xf32, #tpu.memory_space<hbm>> -> memref<1000000x32xf32, #tpu.memory_space<hbm>>
        tpu.enqueue_indirect_dma source(%dma_start3A_235 : memref<1000000x32xf32, #tpu.memory_space<hbm>>) target(%dma_start3A_229 : memref<128x32xf32, #tpu.memory_space<vmem>>) offsets(%dma_start3A_232 : memref<128xi32, #tpu.memory_space<vmem>>) semaphore(%arg6 : memref<!tpu.dma_semaphore, #tpu.memory_space<semaphore_mem>>)
      } else {
      }
      %add3A_130 = arith.constant 112 : i32
      %add3A_131 = arith.addi %scan3A_102, %add3A_130 : i32
      %ge3A_132 = arith.constant 200 : i32
      %ge3A_133 = arith.cmpi sge, %add3A_131, %ge3A_132 : i32
      %add3A_134 = arith.constant 112 : i32
      %add3A_135 = arith.addi %scan3A_102, %add3A_134 : i32
      %sub3A = arith.constant 200 : i32
      %sub3A_136 = arith.subi %add3A_135, %sub3A : i32
      %add3A_137 = arith.constant 112 : i32
      %add3A_138 = arith.addi %scan3A_102, %add3A_137 : i32
      %select_n3A = arith.select %ge3A_133, %sub3A_136, %add3A_138 : i32
      %mul3A_139 = arith.constant 2 : i32
      %mul3A_140 = arith.muli %mul3A_139, %scan3A_101 : i32
      %add3A_141 = arith.constant 1 : i32
      %add3A_142 = arith.addi %mul3A_140, %add3A_141 : i32
      %ge3A_143 = arith.constant 2 : i32
      %ge3A_144 = arith.cmpi sge, %add3A_142, %ge3A_143 : i32
      %convert_element_type3A_145 = arith.extui %ge3A_144 : i1 to i32
      %cond3A_146 = arith.constant 0 : i32
      %cond3A_147 = arith.cmpi ne, %convert_element_type3A_145, %cond3A_146 : i32
      scf.if %cond3A_147 {
        %dma_wait3A_182 = arith.constant 0 : i32
        %dma_wait3A_183 = arith.constant 0 : i32
        %dma_wait3A_184 = tpu.memref_slice %arg5[%dma_wait3A_182, %dma_wait3A_183] : memref<819200x32xf32, #tpu.memory_space<hbm>> -> memref<512x32xf32, #tpu.memory_space<hbm>>
        %dma_wait3A_185 = arith.constant 0 : i32
        %dma_wait3A_186 = arith.constant 0 : i32
        %dma_wait3A_187 = tpu.memref_slice %arg5[%dma_wait3A_185, %dma_wait3A_186] : memref<819200x32xf32, #tpu.memory_space<hbm>> -> memref<512x32xf32, #tpu.memory_space<hbm>>
        tpu.wait_dma2 semaphore(%arg12 : memref<!tpu.dma_semaphore, #tpu.memory_space<semaphore_mem>>) src(%arg10 : memref<512x32xf32, #tpu.memory_space<vmem>>) dst(%dma_wait3A_187 : memref<512x32xf32, #tpu.memory_space<hbm>>)
      } else {
      }
      %dma_wait3A_148 = arith.constant 0 : i32
      %dma_wait3A_149 = arith.constant 0 : i32
      %dma_wait3A_150 = tpu.memref_slice %arg5[%dma_wait3A_148, %dma_wait3A_149] : memref<819200x32xf32, #tpu.memory_space<hbm>> -> memref<512x32xf32, #tpu.memory_space<hbm>>
      %dma_wait3A_151 = arith.constant 0 : i32
      %dma_wait3A_152 = arith.constant 0 : i32
      %dma_wait3A_153 = tpu.memref_slice %arg5[%dma_wait3A_151, %dma_wait3A_152] : memref<819200x32xf32, #tpu.memory_space<hbm>> -> memref<512x32xf32, #tpu.memory_space<hbm>>
      tpu.wait_dma2 semaphore(%arg7 : memref<!tpu.dma_semaphore, #tpu.memory_space<semaphore_mem>>) src(%dma_wait3A_153 : memref<512x32xf32, #tpu.memory_space<hbm>>) dst(%arg15 : memref<512x32xf32, #tpu.memory_space<vmem>>)
      %parallel_loop3A_154 = arith.constant 0 : i32
      %parallel_loop3A_155 = arith.constant 512 : i32
      %parallel_loop3A_156 = arith.constant 1 : i32
      scf.for %parallel_loop3A_182 = %parallel_loop3A_154 to %parallel_loop3A_155 step %parallel_loop3A_156  : i32 {
        %parallel_loop3A_183 = arith.index_cast %parallel_loop3A_182 : i32 to index
        %parallel_loop3A_184 = arith.constant 0 : index
        %parallel_loop3A_185 = tpu.vector_load %arg15[%parallel_loop3A_183, %parallel_loop3A_184] {strides = array<i32>} : memref<512x32xf32, #tpu.memory_space<vmem>>, vector<1x16xf32>,
        %parallel_loop3A_186 = vector.shape_cast %parallel_loop3A_185 : vector<1x16xf32> to vector<16xf32>
        %parallel_loop3A_187 = arith.addi %select_n3A, %parallel_loop3A_182 : i32
        %parallel_loop3A_188 = arith.index_cast %parallel_loop3A_187 : i32 to index
        %parallel_loop3A_189 = arith.constant 0 : index
        %parallel_loop3A_190 = tpu.vector_load %arg13[%parallel_loop3A_188, %parallel_loop3A_189] {strides = array<i32>} : memref<712x32xf32, #tpu.memory_space<vmem>>, vector<1x16xf32>,
        %parallel_loop3A_191 = vector.shape_cast %parallel_loop3A_190 : vector<1x16xf32> to vector<16xf32>
        %parallel_loop3A_192 = arith.addf %parallel_loop3A_186, %parallel_loop3A_191 : vector<16xf32>
        %parallel_loop3A_193 = arith.index_cast %parallel_loop3A_182 : i32 to index
        %parallel_loop3A_194 = arith.constant 0 : index
        %parallel_loop3A_195 = tpu.vector_load %arg10[%parallel_loop3A_193, %parallel_loop3A_194] {strides = array<i32>} : memref<512x32xf32, #tpu.memory_space<vmem>>, vector<1x16xf32>,
        %parallel_loop3A_196 = vector.shape_cast %parallel_loop3A_195 : vector<1x16xf32> to vector<16xf32>
        %parallel_loop3A_197 = vector.shape_cast %parallel_loop3A_192 : vector<16xf32> to vector<1x16xf32>
        tpu.vector_store %arg10[%parallel_loop3A_193, %parallel_loop3A_194], %parallel_loop3A_197 {strides = array<i32>} : memref<512x32xf32, #tpu.memory_space<vmem>>, vector<1x16xf32>,
        %parallel_loop3A_198 = arith.index_cast %parallel_loop3A_182 : i32 to index
        %parallel_loop3A_199 = arith.constant 16 : index
        %parallel_loop3A_200 = tpu.vector_load %arg15[%parallel_loop3A_198, %parallel_loop3A_199] {strides = array<i32>} : memref<512x32xf32, #tpu.memory_space<vmem>>, vector<1x16xf32>,
        %parallel_loop3A_201 = vector.shape_cast %parallel_loop3A_200 : vector<1x16xf32> to vector<16xf32>
        %parallel_loop3A_202 = arith.addi %select_n3A, %parallel_loop3A_182 : i32
        %parallel_loop3A_203 = arith.index_cast %parallel_loop3A_202 : i32 to index
        %parallel_loop3A_204 = arith.constant 16 : index
        %parallel_loop3A_205 = tpu.vector_load %arg13[%parallel_loop3A_203, %parallel_loop3A_204] {strides = array<i32>} : memref<712x32xf32, #tpu.memory_space<vmem>>, vector<1x16xf32>,
        %parallel_loop3A_206 = vector.shape_cast %parallel_loop3A_205 : vector<1x16xf32> to vector<16xf32>
        %parallel_loop3A_207 = arith.addf %parallel_loop3A_201, %parallel_loop3A_206 : vector<16xf32>
        %parallel_loop3A_208 = arith.index_cast %parallel_loop3A_182 : i32 to index
        %parallel_loop3A_209 = arith.constant 16 : index
        %parallel_loop3A_210 = tpu.vector_load %arg10[%parallel_loop3A_208, %parallel_loop3A_209] {strides = array<i32>} : memref<512x32xf32, #tpu.memory_space<vmem>>, vector<1x16xf32>,
        %parallel_loop3A_211 = vector.shape_cast %parallel_loop3A_210 : vector<1x16xf32> to vector<16xf32>
        %parallel_loop3A_212 = vector.shape_cast %parallel_loop3A_207 : vector<16xf32> to vector<1x16xf32>
        tpu.vector_store %arg10[%parallel_loop3A_208, %parallel_loop3A_209], %parallel_loop3A_212 {strides = array<i32>} : memref<512x32xf32, #tpu.memory_space<vmem>>, vector<1x16xf32>,
      } {sc.loop_unroll_factor = 8 : i64, sc.parallel_access}
      %mul3A_157 = arith.constant 512 : i32
      %mul3A_158 = arith.muli %add3A_142, %mul3A_157 : i32
      %add3A_159 = arith.addi %mul3A_4, %mul3A_158 : i32
      %dma_start3A_160 = arith.constant 0 : i32
      %dma_start3A_161 = tpu.memref_slice %arg5[%add3A_159, %dma_start3A_160] : memref<819200x32xf32, #tpu.memory_space<hbm>> -> memref<512x32xf32, #tpu.memory_space<hbm>>
      %dma_start3A_162 = arith.constant 0 : i32
      %dma_start3A_163 = tpu.memref_slice %arg5[%add3A_159, %dma_start3A_162] : memref<819200x32xf32, #tpu.memory_space<hbm>> -> memref<512x32xf32, #tpu.memory_space<hbm>>
      tpu.enqueue_dma source(%arg10 : memref<512x32xf32, #tpu.memory_space<vmem>>) target(%dma_start3A_163 : memref<512x32xf32, #tpu.memory_space<hbm>>) target_semaphore(%arg12 : memref<!tpu.dma_semaphore, #tpu.memory_space<semaphore_mem>>)
      %add3A_164 = arith.constant 2 : i32
      %add3A_165 = arith.addi %add3A_142, %add3A_164 : i32
      %lt3A_166 = arith.constant 50 : i32
      %lt3A_167 = arith.cmpi slt, %add3A_165, %lt3A_166 : i32
      %convert_element_type3A_168 = arith.extui %lt3A_167 : i1 to i32
      %cond3A_169 = arith.constant 0 : i32
      %cond3A_170 = arith.cmpi ne, %convert_element_type3A_168, %cond3A_169 : i32
      scf.if %cond3A_170 {
        %add3A_182 = arith.constant 2 : i32
        %add3A_183 = arith.addi %add3A_142, %add3A_182 : i32
        %mul3A_184 = arith.constant 4 : i32
        %mul3A_185 = arith.muli %add3A_183, %mul3A_184 : i32
        %add3A_186 = arith.constant 0 : i32
        %add3A_187 = arith.addi %mul3A_185, %add3A_186 : i32
        %dma_start3A_188 = arith.constant 0 : i32
        %dma_start3A_189 = arith.constant 0 : i32
        %dma_start3A_190 = tpu.memref_slice %arg15[%dma_start3A_188, %dma_start3A_189] : memref<512x32xf32, #tpu.memory_space<vmem>> -> memref<128x32xf32, #tpu.memory_space<vmem>>
        %dma_start3A_191 = arith.constant 0 : i32
        %dma_start3A_192 = tpu.memref_slice %arg8[%add3A_187, %dma_start3A_191] : memref<200x128xi32, #tpu.memory_space<vmem>> -> memref<1x128xi32, #tpu.memory_space<vmem>>
        %dma_start3A_193 = tpu.memref_squeeze %dma_start3A_192 : memref<1x128xi32, #tpu.memory_space<vmem>> -> memref<128xi32, #tpu.memory_space<vmem>>
        %dma_start3A_194 = arith.constant 0 : i32
        %dma_start3A_195 = arith.constant 0 : i32
        %dma_start3A_196 = tpu.memref_slice %arg3[%dma_start3A_194, %dma_start3A_195] : memref<1000000x32xf32, #tpu.memory_space<hbm>> -> memref<1000000x32xf32, #tpu.memory_space<hbm>>
        tpu.enqueue_indirect_dma source(%dma_start3A_196 : memref<1000000x32xf32, #tpu.memory_space<hbm>>) target(%dma_start3A_190 : memref<128x32xf32, #tpu.memory_space<vmem>>) offsets(%dma_start3A_193 : memref<128xi32, #tpu.memory_space<vmem>>) semaphore(%arg7 : memref<!tpu.dma_semaphore, #tpu.memory_space<semaphore_mem>>)
        %mul3A_197 = arith.constant 4 : i32
        %mul3A_198 = arith.muli %add3A_183, %mul3A_197 : i32
        %add3A_199 = arith.constant 1 : i32
        %add3A_200 = arith.addi %mul3A_198, %add3A_199 : i32
        %dma_start3A_201 = arith.constant 128 : i32
        %dma_start3A_202 = arith.constant 0 : i32
        %dma_start3A_203 = tpu.memref_slice %arg15[%dma_start3A_201, %dma_start3A_202] : memref<512x32xf32, #tpu.memory_space<vmem>> -> memref<128x32xf32, #tpu.memory_space<vmem>>
        %dma_start3A_204 = arith.constant 0 : i32
        %dma_start3A_205 = tpu.memref_slice %arg8[%add3A_200, %dma_start3A_204] : memref<200x128xi32, #tpu.memory_space<vmem>> -> memref<1x128xi32, #tpu.memory_space<vmem>>
        %dma_start3A_206 = tpu.memref_squeeze %dma_start3A_205 : memref<1x128xi32, #tpu.memory_space<vmem>> -> memref<128xi32, #tpu.memory_space<vmem>>
        %dma_start3A_207 = arith.constant 0 : i32
        %dma_start3A_208 = arith.constant 0 : i32
        %dma_start3A_209 = tpu.memref_slice %arg3[%dma_start3A_207, %dma_start3A_208] : memref<1000000x32xf32, #tpu.memory_space<hbm>> -> memref<1000000x32xf32, #tpu.memory_space<hbm>>
        tpu.enqueue_indirect_dma source(%dma_start3A_209 : memref<1000000x32xf32, #tpu.memory_space<hbm>>) target(%dma_start3A_203 : memref<128x32xf32, #tpu.memory_space<vmem>>) offsets(%dma_start3A_206 : memref<128xi32, #tpu.memory_space<vmem>>) semaphore(%arg7 : memref<!tpu.dma_semaphore, #tpu.memory_space<semaphore_mem>>)
        %mul3A_210 = arith.constant 4 : i32
        %mul3A_211 = arith.muli %add3A_183, %mul3A_210 : i32
        %add3A_212 = arith.constant 2 : i32
        %add3A_213 = arith.addi %mul3A_211, %add3A_212 : i32
        %dma_start3A_214 = arith.constant 256 : i32
        %dma_start3A_215 = arith.constant 0 : i32
        %dma_start3A_216 = tpu.memref_slice %arg15[%dma_start3A_214, %dma_start3A_215] : memref<512x32xf32, #tpu.memory_space<vmem>> -> memref<128x32xf32, #tpu.memory_space<vmem>>
        %dma_start3A_217 = arith.constant 0 : i32
        %dma_start3A_218 = tpu.memref_slice %arg8[%add3A_213, %dma_start3A_217] : memref<200x128xi32, #tpu.memory_space<vmem>> -> memref<1x128xi32, #tpu.memory_space<vmem>>
        %dma_start3A_219 = tpu.memref_squeeze %dma_start3A_218 : memref<1x128xi32, #tpu.memory_space<vmem>> -> memref<128xi32, #tpu.memory_space<vmem>>
        %dma_start3A_220 = arith.constant 0 : i32
        %dma_start3A_221 = arith.constant 0 : i32
        %dma_start3A_222 = tpu.memref_slice %arg3[%dma_start3A_220, %dma_start3A_221] : memref<1000000x32xf32, #tpu.memory_space<hbm>> -> memref<1000000x32xf32, #tpu.memory_space<hbm>>
        tpu.enqueue_indirect_dma source(%dma_start3A_222 : memref<1000000x32xf32, #tpu.memory_space<hbm>>) target(%dma_start3A_216 : memref<128x32xf32, #tpu.memory_space<vmem>>) offsets(%dma_start3A_219 : memref<128xi32, #tpu.memory_space<vmem>>) semaphore(%arg7 : memref<!tpu.dma_semaphore, #tpu.memory_space<semaphore_mem>>)
        %mul3A_223 = arith.constant 4 : i32
        %mul3A_224 = arith.muli %add3A_183, %mul3A_223 : i32
        %add3A_225 = arith.constant 3 : i32
        %add3A_226 = arith.addi %mul3A_224, %add3A_225 : i32
        %dma_start3A_227 = arith.constant 384 : i32
        %dma_start3A_228 = arith.constant 0 : i32
        %dma_start3A_229 = tpu.memref_slice %arg15[%dma_start3A_227, %dma_start3A_228] : memref<512x32xf32, #tpu.memory_space<vmem>> -> memref<128x32xf32, #tpu.memory_space<vmem>>
        %dma_start3A_230 = arith.constant 0 : i32
        %dma_start3A_231 = tpu.memref_slice %arg8[%add3A_226, %dma_start3A_230] : memref<200x128xi32, #tpu.memory_space<vmem>> -> memref<1x128xi32, #tpu.memory_space<vmem>>
        %dma_start3A_232 = tpu.memref_squeeze %dma_start3A_231 : memref<1x128xi32, #tpu.memory_space<vmem>> -> memref<128xi32, #tpu.memory_space<vmem>>
        %dma_start3A_233 = arith.constant 0 : i32
        %dma_start3A_234 = arith.constant 0 : i32
        %dma_start3A_235 = tpu.memref_slice %arg3[%dma_start3A_233, %dma_start3A_234] : memref<1000000x32xf32, #tpu.memory_space<hbm>> -> memref<1000000x32xf32, #tpu.memory_space<hbm>>
        tpu.enqueue_indirect_dma source(%dma_start3A_235 : memref<1000000x32xf32, #tpu.memory_space<hbm>>) target(%dma_start3A_229 : memref<128x32xf32, #tpu.memory_space<vmem>>) offsets(%dma_start3A_232 : memref<128xi32, #tpu.memory_space<vmem>>) semaphore(%arg7 : memref<!tpu.dma_semaphore, #tpu.memory_space<semaphore_mem>>)
      } else {
      }
      %add3A_171 = arith.constant 112 : i32
      %add3A_172 = arith.addi %select_n3A, %add3A_171 : i32
      %ge3A_173 = arith.constant 200 : i32
      %ge3A_174 = arith.cmpi sge, %add3A_172, %ge3A_173 : i32
      %add3A_175 = arith.constant 112 : i32
      %add3A_176 = arith.addi %select_n3A, %add3A_175 : i32
      %sub3A_177 = arith.constant 200 : i32
      %sub3A_178 = arith.subi %add3A_176, %sub3A_177 : i32
      %add3A_179 = arith.constant 112 : i32
      %add3A_180 = arith.addi %select_n3A, %add3A_179 : i32
      %select_n3A_181 = arith.select %ge3A_174, %sub3A_178, %add3A_180 : i32
      scf.yield %select_n3A_181 : i32
    }
    %scan3A_89 = arith.constant 25 : i32
    %dma_wait3A = arith.constant 0 : i32
    %dma_wait3A_90 = arith.constant 0 : i32
    %dma_wait3A_91 = tpu.memref_slice %arg5[%dma_wait3A, %dma_wait3A_90] : memref<819200x32xf32, #tpu.memory_space<hbm>> -> memref<512x32xf32, #tpu.memory_space<hbm>>
    %dma_wait3A_92 = arith.constant 0 : i32
    %dma_wait3A_93 = arith.constant 0 : i32
    %dma_wait3A_94 = tpu.memref_slice %arg5[%dma_wait3A_92, %dma_wait3A_93] : memref<819200x32xf32, #tpu.memory_space<hbm>> -> memref<512x32xf32, #tpu.memory_space<hbm>>
    tpu.wait_dma2 semaphore(%arg11 : memref<!tpu.dma_semaphore, #tpu.memory_space<semaphore_mem>>) src(%arg9 : memref<512x32xf32, #tpu.memory_space<vmem>>) dst(%dma_wait3A_94 : memref<512x32xf32, #tpu.memory_space<hbm>>)
    %dma_wait3A_95 = arith.constant 0 : i32
    %dma_wait3A_96 = arith.constant 0 : i32
    %dma_wait3A_97 = tpu.memref_slice %arg5[%dma_wait3A_95, %dma_wait3A_96] : memref<819200x32xf32, #tpu.memory_space<hbm>> -> memref<512x32xf32, #tpu.memory_space<hbm>>
    %dma_wait3A_98 = arith.constant 0 : i32
    %dma_wait3A_99 = arith.constant 0 : i32
    %dma_wait3A_100 = tpu.memref_slice %arg5[%dma_wait3A_98, %dma_wait3A_99] : memref<819200x32xf32, #tpu.memory_space<hbm>> -> memref<512x32xf32, #tpu.memory_space<hbm>>
    tpu.wait_dma2 semaphore(%arg12 : memref<!tpu.dma_semaphore, #tpu.memory_space<semaphore_mem>>) src(%arg10 : memref<512x32xf32, #tpu.memory_space<vmem>>) dst(%dma_wait3A_100 : memref<512x32xf32, #tpu.memory_space<hbm>>)
    return
  }
}

</mosaic_0001>

<sc_bundles>
// kernel: kernel.3.cloned.1.call-start
scs
__scs_entry_jumppad:
0x0: {  	(pc) =	sbr.rel $0x88, $3  }
0x1: {  	(tag) =	ssettag $0x0;
	lr =	simm.s32 $0x1  }
0x2: {  	[smem:$0x3F9E] =	sst lr;
	_ =	strace $0xD0000000  }
0x3: {  	_ = 	snop  }
0x4: {  	_ = 	snop  }
0x5: {  	_ = 	snop  }
0x6: {  	_ = 	snop  }
0x7: {  	_ = 	snop  }
__scs_overlays_trampoline_lowered:
0x8: {  	[smem:$0x3FAD] =	sst s0  }
0x9: {  	[smem:$0x3FAE] =	sst s1  }
0xa: {  	[smem:$0x3FAF] =	sst s2  }
0xb: {  	[smem:$0x3FB0] =	sst s3  }
0xc: {  	[smem:$0x3FB1] =	sst s4  }
0xd: {  	[smem:$0x3FB2] =	sst s5  }
0xe: {  	[smem:$0x3FB3] =	sst s6  }
0xf: {  	[smem:$0x3FB4] =	sst s7  }
0x10: {  	[smem:$0x3FB5] =	sst s8  }
0x11: {  	[smem:$0x3FB6] =	sst s9;
	s0 =	simm.s32 @!p0 $0x0  }
0x12: {  	s1 =	sld [smem:$0x3F9C];
	s0 =	simm.s32 @p0 $0x1  }
0x13: {  	[smem:$0x3FB7] =	sst s0;
	s0 =	simm.s32 @!p1 $0x0  }
0x14: {  	s2 =	sld [smem:$0x3F9B];
	s0 =	simm.s32 @p1 $0x1  }
0x15: {  	[smem:$0x3FB8] =	sst s0;
	s0 =	simm.s32 @!p2 $0x0  }
0x16: {  	s3 =	sld [smem:$0x3FDB];
	s0 =	simm.s32 @p2 $0x1  }
0x17: {  	s4 =	simm.s32 $0x1BF5;
	[smem:$0x3FBA] =	sst s0  }
0x18: {  	s0 =	sld [smem:$0x3F9D];
	_ =	swait.ge [sflag:s4], $0x0  }
0x19: {  	s7 =	sld [smem:$0x3F9E]  }
0x1a: {  	s8 =	sadd.s32 $0xFFFFE003, lr  }
0x1b: {  	s9 =	sadd.s32 $0xFFFFFEF7, lr;
	s5 =	simm.s32 $0xFFFFFFFF;
	p2 =	slt.u32 s8, $0xFFFFF086  }
0x1c: {  	p1 =	slt.u32 s9, $0xF7A;
	s5 =	simm.s32 @!p2 $0x0  }
0x1d: {  	s5 =	simm.s32 @p1 $0x1;
	p0 =	seq.s32 s7, s2  }
0x1e: {  	s7 =	smul.u32 @!p0 $0xF7A, s2;
	p2 =	seq.s32 @!p0 s5, $0x0  }
0x1f: {  	s9 =	smul.u32 $0xF7A, s1;
	s8 =	simm.s32 @!p0 $0x1BF5;
	p2 =	por !p2, p0  }
0x20: {  	[sflag:s8] =	ssyncset.s32 @!p0 $0xFFFFF086;
	s6 =	sadd.s32 @!p0 s3, s7;
	s7 =	simm.s32 @!p0 $0x108  }
0x21: {  	s3 =	sadd.s32 s3, s9;
	s6 =	sadd.s32 @!p0 $0x88, s6;
	s7 =	simm.s32 @p2 $0x1082  }
0x22: {  	[simem:s7], [sflag:s8] =	dma.local @!p0 [hbm:s6], $0xF7A  }
0x23: {  	s9 =	sor.u32 $0xD0000000, s2;
	s6 =	simm.s32 $0x108;
	_ =	swait.ge @!p0 [sflag:s8], $0x0  }
0x24: {  	s3 =	sadd.s32 $0x88, s3;
	s6 =	simm.s32 @!p1 $0x1082;
	[sflag:s4] =	ssyncset.s32 $0xFFFFF086  }
0x25: {  	[simem:s6], [sflag:s4] =	dma.local [hbm:s3], $0xF7A  }
0x26: {  	[smem:$0x3F9E] =	sst s1;
	(tag) =	ssettag s2;
	_ =	strace s9  }
0x27: {  	s1 =	sld [smem:$0x3FAE]  }
0x28: {  	s2 =	sld [smem:$0x3FAF]  }
0x29: {  	s4 =	sld [smem:$0x3FB1]  }
0x2a: {  	p0 =	seq.s32 s5, $0x0;
	s5 =	sld [smem:$0x3FB2]  }
0x2b: {  	s6 =	sld [smem:$0x3FB3]  }
0x2c: {  	s7 =	sld [smem:$0x3FB4]  }
0x2d: {  	s3 =	simm.s32 $0x108;
	s8 =	sld [smem:$0x3FB5]  }
0x2e: {  	s3 =	simm.s32 @!p0 $0x1082;
	s9 =	sld [smem:$0x3FB6]  }
0x2f: {  	lr =	sadd.s32 s0, s3;
	s0 =	sld [smem:$0x3FAD]  }
0x30: {  	s3 =	sld [smem:$0x3FB0]  }
0x31: {  	[smem:$0x3FB9] =	sst s10  }
0x32: {  	s10 =	sld [smem:$0x3FB7];
	_ =	sdelay $0x3  }
0x33: {  	p0 =	seq.s32 s10, $0x1;
	s10 =	sld [smem:$0x3FB9];
	_ =	sdelay $0x3  }
0x34: {  	[smem:$0x3FB9] =	sst s10  }
0x35: {  	s10 =	sld [smem:$0x3FB8];
	_ =	sdelay $0x3  }
0x36: {  	p1 =	seq.s32 s10, $0x1;
	s10 =	sld [smem:$0x3FB9];
	_ =	sdelay $0x3  }
0x37: {  	[smem:$0x3FB9] =	sst s10  }
0x38: {  	s10 =	sld [smem:$0x3FBA]  }
0x39: {  	_ = 	snop;
	(pc) =	sbr.ind lr, $3  }
0x3a: {  	_ = 	snop  }
0x3b: {  	_ = 	snop  }
0x3c: {  	p2 =	seq.s32 s10, $0x1;
	s10 =	sld [smem:$0x3FB9]  }
0x3d: {  	_ =	shalt  }
0x3e: {  	_ =	shalt  }
0x3f: {  	_ =	shalt  }
0x40: {  	_ =	shalt  }
0x41: {  	_ =	shalt  }
0x42: {  	_ =	shalt  }
0x43: {  	_ =	shalt  }
0x44: {  	_ =	shalt  }
0x45: {  	_ =	shalt  }
0x46: {  	_ =	shalt  }
0x47: {  	_ =	shalt  }
0x48: {  	_ =	shalt  }
0x49: {  	_ =	shalt  }
0x4a: {  	_ =	shalt  }
0x4b: {  	_ =	shalt  }
0x4c: {  	_ =	shalt  }
0x4d: {  	_ =	shalt  }
0x4e: {  	_ =	shalt  }
0x4f: {  	_ =	shalt  }
0x50: {  	_ =	shalt  }
0x51: {  	_ =	shalt  }
0x52: {  	_ =	shalt  }
0x53: {  	_ =	shalt  }
0x54: {  	_ =	shalt  }
0x55: {  	_ =	shalt  }
0x56: {  	_ =	shalt  }
0x57: {  	_ =	shalt  }
0x58: {  	_ =	shalt  }
0x59: {  	_ =	shalt  }
0x5a: {  	_ =	shalt  }
0x5b: {  	_ =	shalt  }
0x5c: {  	_ =	shalt  }
0x5d: {  	_ =	shalt  }
0x5e: {  	_ =	shalt  }
0x5f: {  	_ =	shalt  }
0x60: {  	_ =	shalt  }
0x61: {  	_ =	shalt  }
0x62: {  	_ =	shalt  }
0x63: {  	_ =	shalt  }
0x64: {  	_ =	shalt  }
0x65: {  	_ =	shalt  }
0x66: {  	_ =	shalt  }
0x67: {  	_ =	shalt  }
0x68: {  	_ =	shalt  }
0x69: {  	_ =	shalt  }
0x6a: {  	_ =	shalt  }
0x6b: {  	_ =	shalt  }
0x6c: {  	_ =	shalt  }
0x6d: {  	_ =	shalt  }
0x6e: {  	_ =	shalt  }
0x6f: {  	_ =	shalt  }
0x70: {  	_ =	shalt  }
0x71: {  	_ =	shalt  }
0x72: {  	_ =	shalt  }
0x73: {  	_ =	shalt  }
0x74: {  	_ =	shalt  }
0x75: {  	_ =	shalt  }
0x76: {  	_ =	shalt  }
0x77: {  	_ =	shalt  }
0x78: {  	_ =	shalt  }
0x79: {  	_ =	shalt  }
0x7a: {  	_ =	shalt  }
0x7b: {  	_ =	shalt  }
0x7c: {  	_ =	shalt  }
0x7d: {  	_ =	shalt  }
0x7e: {  	_ =	shalt  }
0x7f: {  	_ =	shalt  }
0x80: {  	_ =	shalt  }
0x81: {  	_ =	shalt  }
0x82: {  	_ =	shalt  }
0x83: {  	_ =	shalt  }
0x84: {  	_ =	shalt  }
0x85: {  	_ =	shalt  }
0x86: {  	_ =	shalt  }
0x87: {  	_ =	shalt  }
.Lfunc_end0:
.L_simem_size_0:
called_computation.1_lowered:
.L_overlay_start_0:
0x88: {  	s2 =	sld [smem:$0x3FD9]  }
0x89: {  	s3 =	sld [smem:$0x3FFE];
	_ =	sdelay $0x1  }
0x8a: {  	s1 =	srdreg.scid  }
0x8b: {  	s0 =	sand.u32 $0x1, s1  }
0x8c: {  	s17 =	sshll.u32 s0, $0xA;
	s2 =	sadd.s32 s3, s2  }
0x8d: {  	s2 =	sadd.s32 s2, s17  }
0x8e: {  	[smem:$0x3FC5] =	sst s2  }
0x8f: {  	_ = 	snop  }
0x90: {  	s2 =	sld [smem:$0x3FD0];
	(tm) =	ssettm $0x1  }
0x91: {  	s18 =	sld [smem:$0x3FFB];
	_ =	sdelay $0x3  }
0x92: {  	_ =	strace s18  }
0x93: {  	s3 =	sld [smem:$0x3FFC];
	_ =	sdelay $0x3  }
0x94: {  	_ =	strace s3  }
0x95: {  	s3 =	sld [smem:$0x3FFD];
	_ =	sdelay $0x3  }
0x96: {  	_ =	strace s3  }
0x97: {  	_ =	strace $0x8FFFFFFF  }
0x98: {  	s19 =	sld [smem:$0x3FDB];
	_ =	sdelay $0x1  }
0x99: {  	s4 =	simm.s32 $_scs_section_size  }
0x9a: {  	s5 =	simm.s32 $_size__tile_overlayer_lowered;
	s6 =	simm.s32 $_tile_overlayer_lowered  }
0x9b: {  	s22 =	simm.s32 $0x1BFF;
	s21 =	sshll.u32 s6, $0x1;
	s3 =	sadd.s32 s4, s19  }
0x9c: {  	s7 =	simm.s32 $0x0;
	s20 =	sshll.u32 s5, $0x1;
	s5 =	sadd.s32 s21, s3  }
0x9d: {  	[timem:s7], [sflag:s22] =	dma.local [hbm:s5], s20  }
0x9e: {  	_ =	swait.ge [sflag:s22], s20  }
0x9f: {  	s4 =	ssub.s32 $0x0, s20;
	[sflag:s22] =	ssyncset.done $0x0  }
0xa0: {  	[sflag:s22] =	ssyncadd.s32 s4;
	_ =	sdelay $0x1  }
0xa1: {  	s23 =	simm.s32 $0x1B8B  }
0xa2: {  	_ =	swait.ge [sflag:s23], $0x1  }
0xa3: {  	[sflag:s23] =	ssyncset.done $0x0  }
0xa4: {  	s25 =	simm.s32 $0x1B8E;
	s24 =	sld [smem:$0x3FFE];
	[sflag:s23] =	ssyncadd.s32 $0xFFFFFFFF  }
0xa5: {  	s26 =	simm.s32 $execute0_lowered;
	[smem:$0x3FD2] =	sst s25  }
0xa6: {  	s5 =	sshll.u32 s26, $0x1;
	_ =	strace $0x80000046;
	[dreg:$0x1] =	wrdreg $0xFFFFFFFF  }
0xa7: {  	s28 =	simm.s32 $_size_execute0_lowered;
	s3 =	sadd.s32 s3, s5;
	[dreg:$0x0] =	wrdreg $0x0  }
0xa8: {  	s5 =	sshll.u32 s28, $0x1;
	[dreg:$0x2] =	wrdreg s3  }
0xa9: {  	[dreg:$0x3] =	wrdreg s5  }
0xaa: {  	[dreg:$0x4] =	wrdreg $0xC0  }
0xab: {  	_ =	task [dreg:s7], $0x5FFFF  }
0xac: {  	[dreg:$0x1] =	wrdreg $0xFFFFFFFF  }
0xad: {  	[dreg:$0x0] =	wrdreg $0x60  }
0xae: {  	[dreg:$0x2] =	wrdreg s24  }
0xaf: {  	[dreg:$0x3] =	wrdreg s2  }
0xb0: {  	[dreg:$0x4] =	wrdreg $0x9  }
0xb1: {  	_ =	task.clear_ibuf [dreg:s7], $0x5FFFF;
	_ =	strace $0x90000046  }
0xb2: {  	s29 =	simm.s32 $0x9;
	_ =	strace $0x80000048  }
0xb3: {  	_ =	swait.ge [sflag:s29], $0x1  }
0xb4: {  	[sflag:s29] =	ssyncadd.s32 $0xFFFFFFFF  }
0xb5: {  	_ =	strace $0x90000048  }
0xb6: {  	_ =	sfence  }
0xb7: {  	s30 =	sld [smem:$0x0];
	_ =	sdelay $0x2  }
0xb8: {  	s31 =	sshll.u32 s1, $0xD;
	s1 =	sshrl.u32 s1, $0x2  }
0xb9: {  	s3 =	sand.u32 $0x4000, s31;
	s1 =	sadd.s32 s1, s30  }
0xba: {  	s0 =	sor.u32 s3, s0;
	s1 =	sshll.u32 s1, $0x11  }
0xbb: {  	s0 =	sor.u32 s1, s0  }
0xbc: {  	s0 =	sadd.s32 $0x8F2B, s0  }
0xbd: {  	[sflag:s0] =	ssyncadd.remote.s32 $0x1  }
0xbe: {  	_ =	sfence.sel $0xFFFF  }
0xbf: {  	[dreg:$0x0] =	wrdreg $0xFFFFFFFF;
	(pc) =	sbr.abs _section_cstart, $3  }
0xc0: {  	[dreg:$0x1] =	wrdreg $0xFFFFFFFF  }
0xc1: {  	_ =	task.clear_ibuf [dreg:s7], $0x2FFFF;
	_ =	strace $0x9FFFFFFF  }
0xc2: {  	(tm) =	ssettm $0x7FFFFFFF  }
0xc3: {  	_ =	shalt  }
tec
execute0_lowered:
.L_overlay_start_1:
0x0: {  	(tag) =	ssettag $0x1  }
0x1: {  	s0 =	rddreg [dreg:$0x0]  }
0x2: {  	s1 =	srdreg.scid;
	s3 =	stileid.u32  }
0x3: {  	s2 =	rddreg [dreg:$0x1];
	s10 =	simm.s32 $0x5;
	s15 =	simm.s32 $0x80  }
0x4: {  	s16 =	simm.s32 $0x13D00;
	s17 =	simm.s32 $0x14D00;
	s19 =	simm.s32 $0x15D00  }
0x5: {  	s21 =	simm.s32 $0x16D00;
	s23 =	simm.s32 $0x17D00;
	s28 =	simm.s32 $0x19D00  }
0x6: {  	s30 =	simm.s32 $0x1AD00;
	s31 =	simm.s32 $0x1;
	s11 =	simm.s32 $0x2  }
0x7: {  	s12 =	simm.s32 $0xA400;
	s1 =	sand.u32 $0x1, s1;
	s4 =	sshll.u32 s3, $0x1  }
0x8: {  	s13 =	simm.s32 $0x3;
	s14 =	simm.s32 $0x0;
	s6 =	sor.u32 s1, s4  }
0x9: {  	s3 =	simm.s32 $0x0;
	s5 =	sadd.s32 $0x19C00, s0;
	s4 =	smul.u32 $0xC80, s6  }
0xa: {  	[smem:$0x7FF] =	sst s3;
	s1 =	ssub.s32 $0x2, s1;
	s8 =	smul.u32 $0x19000, s6  }
.Ltmp0:
0xb: {  	_ =	strace $0x80000047;
	s25 =	sshrl.u32 s1, $0x1;
	(pc) =	sbr.rel .LBB2_1-.Ltmp0, $4  }
0xc: {  	s7 =	sadd.s32 s4, s0;
	s4 =	sadd.s32 $0xF43000, s0;
	s0 =	ssub.s32 s1, s25  }
0xd: {  	s29 =	sadd.s32 s8, s2;
	s25 =	simm.s32 $0x18D00;
	s1 =	simm.s32 $0x6400  }
0xe: {  	s26 =	sadd.s32 $0xC00, s7;
	s7 =	smul.u32 $0xC8000, s6;
	s8 =	smax.u32 s0, $0x1  }
0xf: {  	s9 =	sadd.s32 $0x800, s29;
	s0 =	simm.s32 $0x4;
	[dreg:$0x3] =	wrdreg s26  }
.LBB2_12:
0x10: {  	s14 =	sadd.s32 $0x1, s14  }
0x11: {  	_ =	swait.ge [sflag:s13], $0x4000;
	p0 =	sne.s32 s14, s8  }
.Ltmp1:
0x12: {  	[sflag:s13] =	ssyncset.done $0x0;
	(pc) =	sbr.rel @!p0 .LBB2_13-.Ltmp1, $4  }
0x13: {  	[sflag:s13] =	ssyncadd.s32 $0xFFFFC000  }
0x14: {  	_ =	swait.ge [sflag:s0], $0x4000  }
0x15: {  	[sflag:s0] =	ssyncset.done $0x0  }
0x16: {  	[sflag:s0] =	ssyncadd.s32 $0xFFFFC000  }
.LBB2_1:
0x17: {  	s6 =	rddreg [dreg:$0x3]  }
0x18: {  	[tilespmem:s3], [sflag:$0x5] =	stream.linear.gather [hbm4b:s6+s3], $0x6400, $0x38;
	[tilespmem:$0x1BD00] =	vst v63  }
0x19: {  	_ =	swait.ge [sflag:s10], $0x6400  }
0x1a: {  	[sflag:s10] =	ssyncset.done $0x0  }
0x1b: {  	s22 =	simm.s32 $0xE400;
	[sflag:s10] =	ssyncadd.s32 $0xFFFF9C00  }
0x1c: {  	[tilespmem:s22], [sflag:$0x5] =	stream.linear.gather [hbm4b:s5+s3], $0x1900, $0x38;
	[tilespmem:$0x1BD00] =	vst v63  }
0x1d: {  	_ =	swait.ge [sflag:s10], $0x1900  }
0x1e: {  	[sflag:s10] =	ssyncset.done $0x0  }
0x1f: {  	s24 =	simm.s32 $0xFD00;
	[sflag:s10] =	ssyncadd.s32 $0xFFFFE700  }
0x20: {  	[tilespmem:s24], [sflag:$0x5] =	stream.linear.gather [hbm4b:s5+s3], $0x1900, $0x38;
	[tilespmem:$0x1BD00] =	vst v63  }
0x21: {  	_ =	swait.ge [sflag:s10], $0x1900  }
0x22: {  	[sflag:s10] =	ssyncset.done $0x0  }
0x23: {  	s26 =	simm.s32 $0x11600;
	[sflag:s10] =	ssyncadd.s32 $0xFFFFE700  }
0x24: {  	[tilespmem:s26], [sflag:$0x5] =	stream.linear.gather [hbm4b:s5+s3], $0x1900, $0x38;
	[tilespmem:$0x1BD00] =	vst v63  }
0x25: {  	_ =	swait.ge [sflag:s10], $0x1900  }
0x26: {  	[sflag:s10] =	ssyncset.done $0x0  }
0x27: {  	s29 =	simm.s32 $0x12F00;
	[sflag:s10] =	ssyncadd.s32 $0xFFFFE700  }
0x28: {  	[tilespmem:s29], [sflag:$0x5] =	stream.linear.gather [hbm4b:s5+s3], $0xE00, $0x38;
	[tilespmem:$0x1BD00] =	vst v63  }
0x29: {  	_ =	swait.ge [sflag:s10], $0xE00  }
0x2a: {  	[sflag:s10] =	ssyncset.done $0x0  }
0x2b: {  	[sflag:s10] =	ssyncadd.s32 $0xFFFFF200  }
0x2c: {  	[tilespmem:s16], [sflag:$0x1] =	stream.indirect.gather [hbm4b:s4+s15], $0x20, s3, s15, $0xb8;
	[tilespmem:$0x1BD00] =	vst v63  }
0x2d: {  	_ = 	snop  }
0x2e: {  	[tilespmem:s17], [sflag:$0x1] =	stream.indirect.gather [hbm4b:s4+s15], $0x20, s15, s15, $0xb8;
	[tilespmem:$0x1BD00] =	vst v63  }
0x2f: {  	s18 =	simm.s32 $0x100  }
0x30: {  	[tilespmem:s19], [sflag:$0x1] =	stream.indirect.gather [hbm4b:s4+s15], $0x20, s18, s15, $0xb8;
	[tilespmem:$0x1BD00] =	vst v63  }
0x31: {  	s20 =	simm.s32 $0x180  }
0x32: {  	[tilespmem:s21], [sflag:$0x1] =	stream.indirect.gather [hbm4b:s4+s15], $0x20, s20, s15, $0xb8;
	[tilespmem:$0x1BD00] =	vst v63  }
0x33: {  	s22 =	simm.s32 $0x200  }
0x34: {  	[tilespmem:s23], [sflag:$0x2] =	stream.indirect.gather [hbm4b:s4+s15], $0x20, s22, s15, $0xb8;
	[tilespmem:$0x1BD00] =	vst v63  }
0x35: {  	s24 =	simm.s32 $0x280  }
0x36: {  	[tilespmem:s25], [sflag:$0x2] =	stream.indirect.gather [hbm4b:s4+s15], $0x20, s24, s15, $0xb8;
	[tilespmem:$0x1BD00] =	vst v63  }
0x37: {  	s26 =	simm.s32 $0x300  }
0x38: {  	[tilespmem:s28], [sflag:$0x2] =	stream.indirect.gather [hbm4b:s4+s15], $0x20, s26, s15, $0xb8;
	[tilespmem:$0x1BD00] =	vst v63  }
0x39: {  	s29 =	simm.s32 $0x380;
	s18 =	simm.s32 $0x0;
	s24 =	simm.s32 $0x0  }
0x3a: {  	[tilespmem:s30], [sflag:$0x2] =	stream.indirect.gather [hbm4b:s4+s15], $0x20, s29, s15, $0xb8;
	[tilespmem:$0x1BD00] =	vst v63  }
.LBB2_2:
0x3b: {  	p0 =	seq.s32 s18, $0x0  }
0x3c: {  	s6 =	simm.s32 @!p0 $0x3  }
0x3d: {  	_ =	swait.ge @!p0 [sflag:s6], $0x4000  }
0x3e: {  	[sflag:s6] =	ssyncset.done @!p0 $0x0  }
0x3f: {  	[sflag:s6] =	ssyncadd.s32 @!p0 $0xFFFFC000  }
0x40: {  	_ =	swait.ge [sflag:s31], $0x4000  }
0x41: {  	s26 =	sshll.u32 s24, $0x7;
	[sflag:s31] =	ssyncset.done $0x0  }
0x42: {  	s20 =	simm.s32 $0x13D80;
	s6 =	sshra.s32 s26, $0x2;
	[sflag:s31] =	ssyncadd.s32 $0xFFFFC000  }
0x43: {  	s26 =	sadd.s32 $0xE480, s6;
	v0 =	vld [tilespmem:s20+$0x60]  }
0x44: {  	v1 =	vld [tilespmem:s26+$0x60]  }
0x45: {  	v2 =	vld [tilespmem:s26+$0xFFFFFF80]  }
0x46: {  	v3 =	vld [tilespmem:s20+$0xFFFFFFA0]  }
0x47: {  	v4 =	vld [tilespmem:s26+$0xFFFFFFA0]  }
0x48: {  	v5 =	vld [tilespmem:s20+$0xFFFFFFC0]  }
0x49: {  	v6 =	vld [tilespmem:s26+$0xFFFFFFC0]  }
0x4a: {  	v7 =	vld [tilespmem:s26+$0xFFFFFFE0]  }
0x4b: {  	v9 =	vld [tilespmem:s20+$0x0]  }
0x4c: {  	v10 =	vld [tilespmem:s26+$0x0]  }
0x4d: {  	v11 =	vld [tilespmem:s20+$0x20]  }
0x4e: {  	v12 =	vld [tilespmem:s26+$0x20]  }
0x4f: {  	v13 =	vld [tilespmem:s26+$0x40];
	v0 =	vadd.f32 v1, v0  }
0x50: {  	s22 =	simm.s32 $0x6480;
	v1 =	vld [tilespmem:s20+$0xFFFFFFE0];
	v3 =	vadd.f32 v4, v3  }
0x51: {  	v4 =	vld [tilespmem:s20+$0x40];
	[tilespmem:s22+$0x60] =	vst v0  }
0x52: {  	[tilespmem:s22+$0xFFFFFFA0] =	vst v3;
	v3 =	vadd.f32 v6, v5;
	v5 =	vld [tilespmem:s20+$0xFFFFFF80]  }
0x53: {  	v0 =	vld [tilespmem:s20+$0x70]  }
0x54: {  	v8 =	vld [tilespmem:s26+$0x70]  }
0x55: {  	v6 =	vld [tilespmem:s20+$0xFFFFFFB0]  }
0x56: {  	[tilespmem:s22+$0xFFFFFFC0] =	vst v3;
	v3 =	vld [tilespmem:s26+$0xFFFFFFB0];
	v1 =	vadd.f32 v7, v1  }
0x57: {  	v7 =	vld [tilespmem:s20+$0xFFFFFFD0]  }
0x58: {  	v61 =	vld [tilespmem:s26+$0xFFFFFFD0];
	[tilespmem:s22+$0xFFFFFFE0] =	vst v1;
	v1 =	vadd.f32 v10, v9  }
0x59: {  	v2 =	vadd.f32 v2, v5;
	v5 =	vld [tilespmem:s20+$0xFFFFFFF0]  }
0x5a: {  	v62 =	vld [tilespmem:s26+$0xFFFFFFF0];
	[tilespmem:s22+$0x0] =	vst v1  }
0x5b: {  	v1 =	vadd.f32 v8, v0;
	[tilespmem:s22+$0xFFFFFF80] =	vst v2;
	v0 =	vld [tilespmem:s20+$0x10]  }
0x5c: {  	v2 =	vadd.f32 v12, v11;
	v8 =	vld [tilespmem:s20+$0xFFFFFF90]  }
0x5d: {  	v63 =	vld [tilespmem:s26+$0xFFFFFF90];
	[tilespmem:s22+$0x70] =	vst v1;
	v1 =	vadd.f32 v13, v4  }
0x5e: {  	[tilespmem:s22+$0x20] =	vst v2;
	v2 =	vadd.f32 v3, v6;
	v3 =	vld [tilespmem:s26+$0x10]  }
0x5f: {  	v6 =	vadd.f32 v61, v7;
	v4 =	vld [tilespmem:s26+$0x30];
	[tilespmem:s22+$0x40] =	vst v1  }
0x60: {  	v1 =	vld [tilespmem:s20+$0x30];
	[tilespmem:s22+$0xFFFFFFB0] =	vst v2;
	v5 =	vadd.f32 v62, v5  }
0x61: {  	[tilespmem:s22+$0xFFFFFFD0] =	vst v6;
	v2 =	vld [tilespmem:s20+$0x50]  }
0x62: {  	s29 =	simm.s32 $0x0;
	s6 =	simm.s32 $0x13E80;
	s20 =	sshll.u32 s18, $0xC;
	[tilespmem:s22+$0xFFFFFFF0] =	vst v5;
	v6 =	vadd.f32 v63, v8;
	v5 =	vld [tilespmem:s26+$0x50]  }
.LBB2_3:
0x63: {  	v7 =	vld [tilespmem:s6+$0x60];
	v0 =	vadd.f32 v3, v0;
	s26 =	sadd.s32 $0x100, s26  }
0x64: {  	v3 =	vld [tilespmem:s26+$0x60];
	[tilespmem:s22+$0xFFFFFF90] =	vst v6  }
0x65: {  	s29 =	sadd.s32 $0x8, s29;
	v6 =	vld [tilespmem:s26+$0xFFFFFF80];
	[tilespmem:s22+$0x10] =	vst v0;
	v0 =	vadd.f32 v4, v1  }
0x66: {  	p1 =	slt.u32 s29, $0x1F8;
	v1 =	vld [tilespmem:s6+$0xFFFFFFA0]  }
0x67: {  	v4 =	vld [tilespmem:s26+$0xFFFFFFA0];
	[tilespmem:s22+$0x30] =	vst v0;
	v0 =	vadd.f32 v5, v2  }
0x68: {  	v2 =	vld [tilespmem:s6+$0xFFFFFFC0]  }
0x69: {  	v5 =	vld [tilespmem:s26+$0xFFFFFFC0];
	v3 =	vadd.f32 v3, v7;
	[tilespmem:s22+$0x50] =	vst v0  }
0x6a: {  	s22 =	sadd.s32 $0x100, s22;
	v0 =	vld [tilespmem:s6+$0xFFFFFFE0]  }
0x6b: {  	v7 =	vld [tilespmem:s26+$0xFFFFFFE0];
	[tilespmem:s22+$0x60] =	vst v3  }
0x6c: {  	v1 =	vadd.f32 v4, v1;
	v3 =	vld [tilespmem:s6+$0x70]  }
0x6d: {  	v4 =	vld [tilespmem:s26+$0x70]  }
0x6e: {  	[tilespmem:s22+$0xFFFFFFA0] =	vst v1;
	v1 =	vadd.f32 v5, v2;
	v2 =	vld [tilespmem:s6+$0x0]  }
0x6f: {  	v5 =	vld [tilespmem:s26+$0x0]  }
0x70: {  	[tilespmem:s22+$0xFFFFFFC0] =	vst v1;
	v0 =	vadd.f32 v7, v0;
	v1 =	vld [tilespmem:s6+$0x20]  }
0x71: {  	v7 =	vld [tilespmem:s26+$0x20]  }
0x72: {  	[tilespmem:s22+$0xFFFFFFE0] =	vst v0;
	v0 =	vld [tilespmem:s6+$0x40];
	v3 =	vadd.f32 v4, v3  }
0x73: {  	v4 =	vld [tilespmem:s26+$0x40]  }
0x74: {  	v8 =	vld [tilespmem:s6+$0xFFFFFF80];
	v2 =	vadd.f32 v5, v2;
	[tilespmem:s22+$0x70] =	vst v3  }
0x75: {  	v3 =	vld [tilespmem:s6+$0xFFFFFFB0]  }
0x76: {  	v5 =	vld [tilespmem:s26+$0xFFFFFFB0];
	[tilespmem:s22+$0x0] =	vst v2;
	v1 =	vadd.f32 v7, v1  }
0x77: {  	v2 =	vld [tilespmem:s6+$0xFFFFFFD0]  }
0x78: {  	v7 =	vld [tilespmem:s26+$0xFFFFFFD0];
	[tilespmem:s22+$0x20] =	vst v1;
	v0 =	vadd.f32 v4, v0  }
0x79: {  	v1 =	vadd.f32 v6, v8;
	v4 =	vld [tilespmem:s6+$0xFFFFFFF0]  }
0x7a: {  	v6 =	vld [tilespmem:s26+$0xFFFFFFF0];
	[tilespmem:s22+$0x40] =	vst v0  }
0x7b: {  	[tilespmem:s22+$0xFFFFFF80] =	vst v1;
	v1 =	vadd.f32 v5, v3;
	v0 =	vld [tilespmem:s6+$0x10]  }
0x7c: {  	v5 =	vld [tilespmem:s6+$0xFFFFFF90]  }
0x7d: {  	v8 =	vld [tilespmem:s26+$0xFFFFFF90];
	[tilespmem:s22+$0xFFFFFFB0] =	vst v1;
	v1 =	vadd.f32 v7, v2  }
.Ltmp2:
0x7e: {  	v3 =	vld [tilespmem:s26+$0x10];
	(pc) =	sbr.rel @p1 .LBB2_3-.Ltmp2, $4  }
0x7f: {  	[tilespmem:s22+$0xFFFFFFD0] =	vst v1;
	v2 =	vadd.f32 v6, v4;
	v1 =	vld [tilespmem:s6+$0x30]  }
0x80: {  	v4 =	vld [tilespmem:s26+$0x30]  }
0x81: {  	[tilespmem:s22+$0xFFFFFFF0] =	vst v2;
	v2 =	vld [tilespmem:s6+$0x50]  }
0x82: {  	s6 =	sadd.s32 $0x100, s6;
	v6 =	vadd.f32 v8, v5;
	v5 =	vld [tilespmem:s26+$0x50]  }
0x83: {  	_ =	sdelay $0x1  }
0x84: {  	v0 =	vadd.f32 v3, v0  }
0x85: {  	s6 =	sshll.u32 s18, $0xF;
	p2 =	sne.s32 s18, $0x18;
	[tilespmem:s22+$0xFFFFFF90] =	vst v6;
	v1 =	vadd.f32 v4, v1  }
.Ltmp3:
0x86: {  	s6 =	sadd.s32 s7, s6;
	[tilespmem:s22+$0x10] =	vst v0;
	v63 =	vadd.f32 v5, v2;
	(pc) =	sbr.rel @p2 .LBB2_6-.Ltmp3, $4  }
0x87: {  	s6 =	sshrl.u32 s6, $0x3;
	[tilespmem:s22+$0x30] =	vst v1  }
0x88: {  	s6 =	sadd.s32 s2, s6;
	[tilespmem:s22+$0x50] =	vst v63;
	s22 =	sadd.s32 $0x70, s24  }
0x89: {  	[hbm4b:s6+s3] =	stream.linear.scatter [tilespmem:s1], [sflag:$0x3], $0x4000, $0x38;
	[tilespmem:$0x1BD00] =	vst v63  }
0x8a: {  	s6 =	sadd.s32 $0xFFFFFFA8, s24;
	p1 =	sgt.s32 s22, $0xC7  }
.Ltmp4:
0x8b: {  	(pc) =	sbr.rel .LBB2_7-.Ltmp4, $2  }
0x8c: {  	_ =	sdelay $0x2  }
0x8d: {  	s22 =	smov.u32 @p1 s6  }
.LBB2_6:
0x8e: {  	s24 =	sshra.s32 s20, $0x2  }
0x8f: {  	s26 =	sadd.s32 $0x400, s24  }
0x90: {  	[tilespmem:s16], [sflag:$0x1] =	stream.indirect.gather [hbm4b:s4+s15], $0x20, s26, s15, $0xb8;
	[tilespmem:$0x1BD00] =	vst v63  }
0x91: {  	s29 =	sadd.s32 $0x480, s24  }
0x92: {  	[tilespmem:s17], [sflag:$0x1] =	stream.indirect.gather [hbm4b:s4+s15], $0x20, s29, s15, $0xb8;
	[tilespmem:$0x1BD00] =	vst v63  }
.Ltmp5:
0x93: {  	_ = 	snop;
	(pc) =	sbr.rel @p0 .LBB2_8-.Ltmp5, $4  }
0x94: {  	s29 =	sadd.s32 $0x500, s24  }
0x95: {  	[tilespmem:s19], [sflag:$0x1] =	stream.indirect.gather [hbm4b:s4+s15], $0x20, s29, s15, $0xb8;
	[tilespmem:$0x1BD00] =	vst v63  }
0x96: {  	s22 =	smov.u32 @p1 s6;
	s24 =	sadd.s32 $0x580, s24  }
0x97: {  	[tilespmem:s21], [sflag:$0x1] =	stream.indirect.gather [hbm4b:s4+s15], $0x20, s24, s15, $0xb8;
	[tilespmem:$0x1BD00] =	vst v63  }
.LBB2_7:
0x98: {  	_ =	swait.ge [sflag:s0], $0x4000  }
0x99: {  	[sflag:s0] =	ssyncset.done $0x0  }
0x9a: {  	[sflag:s0] =	ssyncadd.s32 $0xFFFFC000  }
.LBB2_8:
0x9b: {  	_ =	swait.ge [sflag:s11], $0x4000  }
0x9c: {  	s6 =	sshll.u32 s22, $0x7;
	[sflag:s11] =	ssyncset.done $0x0  }
0x9d: {  	s29 =	simm.s32 $0x17D80;
	s6 =	sshra.s32 s6, $0x2;
	[sflag:s11] =	ssyncadd.s32 $0xFFFFC000  }
0x9e: {  	s24 =	sadd.s32 $0xE480, s6;
	v0 =	vld [tilespmem:s29+$0x60]  }
0x9f: {  	v1 =	vld [tilespmem:s24+$0x60]  }
0xa0: {  	v2 =	vld [tilespmem:s24+$0xFFFFFF80]  }
0xa1: {  	v3 =	vld [tilespmem:s29+$0xFFFFFFA0]  }
0xa2: {  	v4 =	vld [tilespmem:s24+$0xFFFFFFA0]  }
0xa3: {  	v5 =	vld [tilespmem:s29+$0xFFFFFFC0]  }
0xa4: {  	v6 =	vld [tilespmem:s24+$0xFFFFFFC0]  }
0xa5: {  	v7 =	vld [tilespmem:s24+$0xFFFFFFE0]  }
0xa6: {  	v9 =	vld [tilespmem:s29+$0x0]  }
0xa7: {  	v10 =	vld [tilespmem:s24+$0x0]  }
0xa8: {  	v11 =	vld [tilespmem:s29+$0x20]  }
0xa9: {  	v12 =	vld [tilespmem:s24+$0x20]  }
0xaa: {  	v13 =	vld [tilespmem:s24+$0x40];
	v0 =	vadd.f32 v1, v0  }
0xab: {  	s26 =	simm.s32 $0xA480;
	v1 =	vld [tilespmem:s29+$0xFFFFFFE0];
	v3 =	vadd.f32 v4, v3  }
0xac: {  	v4 =	vld [tilespmem:s29+$0x40];
	[tilespmem:s26+$0x60] =	vst v0  }
0xad: {  	[tilespmem:s26+$0xFFFFFFA0] =	vst v3;
	v3 =	vadd.f32 v6, v5;
	v5 =	vld [tilespmem:s29+$0xFFFFFF80]  }
0xae: {  	v0 =	vld [tilespmem:s29+$0x70]  }
0xaf: {  	v8 =	vld [tilespmem:s24+$0x70]  }
0xb0: {  	v6 =	vld [tilespmem:s29+$0xFFFFFFB0]  }
0xb1: {  	[tilespmem:s26+$0xFFFFFFC0] =	vst v3;
	v3 =	vld [tilespmem:s24+$0xFFFFFFB0];
	v1 =	vadd.f32 v7, v1  }
0xb2: {  	v7 =	vld [tilespmem:s29+$0xFFFFFFD0]  }
0xb3: {  	v61 =	vld [tilespmem:s24+$0xFFFFFFD0];
	[tilespmem:s26+$0xFFFFFFE0] =	vst v1;
	v1 =	vadd.f32 v10, v9  }
0xb4: {  	v2 =	vadd.f32 v2, v5;
	v5 =	vld [tilespmem:s29+$0xFFFFFFF0]  }
0xb5: {  	v62 =	vld [tilespmem:s24+$0xFFFFFFF0];
	[tilespmem:s26+$0x0] =	vst v1  }
0xb6: {  	v1 =	vadd.f32 v8, v0;
	[tilespmem:s26+$0xFFFFFF80] =	vst v2;
	v0 =	vld [tilespmem:s29+$0x10]  }
0xb7: {  	v2 =	vadd.f32 v12, v11;
	v8 =	vld [tilespmem:s29+$0xFFFFFF90]  }
0xb8: {  	v63 =	vld [tilespmem:s24+$0xFFFFFF90];
	[tilespmem:s26+$0x70] =	vst v1;
	v1 =	vadd.f32 v13, v4  }
0xb9: {  	[tilespmem:s26+$0x20] =	vst v2;
	v2 =	vadd.f32 v3, v6;
	v3 =	vld [tilespmem:s24+$0x10]  }
0xba: {  	v6 =	vadd.f32 v61, v7;
	v4 =	vld [tilespmem:s24+$0x30];
	[tilespmem:s26+$0x40] =	vst v1  }
0xbb: {  	v1 =	vld [tilespmem:s29+$0x30];
	[tilespmem:s26+$0xFFFFFFB0] =	vst v2;
	v5 =	vadd.f32 v62, v5  }
0xbc: {  	[tilespmem:s26+$0xFFFFFFD0] =	vst v6;
	v2 =	vld [tilespmem:s29+$0x50]  }
0xbd: {  	s6 =	simm.s32 $0x17E80;
	s29 =	simm.s32 $0x0;
	[tilespmem:s26+$0xFFFFFFF0] =	vst v5;
	v6 =	vadd.f32 v63, v8;
	v5 =	vld [tilespmem:s24+$0x50]  }
.LBB2_9:
0xbe: {  	v7 =	vld [tilespmem:s6+$0x60];
	v0 =	vadd.f32 v3, v0;
	s24 =	sadd.s32 $0x100, s24  }
0xbf: {  	v3 =	vld [tilespmem:s24+$0x60];
	[tilespmem:s26+$0xFFFFFF90] =	vst v6  }
0xc0: {  	s29 =	sadd.s32 $0x8, s29;
	v6 =	vld [tilespmem:s24+$0xFFFFFF80];
	[tilespmem:s26+$0x10] =	vst v0;
	v0 =	vadd.f32 v4, v1  }
0xc1: {  	p0 =	slt.u32 s29, $0x1F8;
	v1 =	vld [tilespmem:s6+$0xFFFFFFA0]  }
0xc2: {  	v4 =	vld [tilespmem:s24+$0xFFFFFFA0];
	[tilespmem:s26+$0x30] =	vst v0;
	v0 =	vadd.f32 v5, v2  }
0xc3: {  	v2 =	vld [tilespmem:s6+$0xFFFFFFC0]  }
0xc4: {  	v5 =	vld [tilespmem:s24+$0xFFFFFFC0];
	v3 =	vadd.f32 v3, v7;
	[tilespmem:s26+$0x50] =	vst v0  }
0xc5: {  	s26 =	sadd.s32 $0x100, s26;
	v0 =	vld [tilespmem:s6+$0xFFFFFFE0]  }
0xc6: {  	v7 =	vld [tilespmem:s24+$0xFFFFFFE0];
	[tilespmem:s26+$0x60] =	vst v3  }
0xc7: {  	v1 =	vadd.f32 v4, v1;
	v3 =	vld [tilespmem:s6+$0x70]  }
0xc8: {  	v4 =	vld [tilespmem:s24+$0x70]  }
0xc9: {  	[tilespmem:s26+$0xFFFFFFA0] =	vst v1;
	v1 =	vadd.f32 v5, v2;
	v2 =	vld [tilespmem:s6+$0x0]  }
0xca: {  	v5 =	vld [tilespmem:s24+$0x0]  }
0xcb: {  	[tilespmem:s26+$0xFFFFFFC0] =	vst v1;
	v0 =	vadd.f32 v7, v0;
	v1 =	vld [tilespmem:s6+$0x20]  }
0xcc: {  	v7 =	vld [tilespmem:s24+$0x20]  }
0xcd: {  	[tilespmem:s26+$0xFFFFFFE0] =	vst v0;
	v0 =	vld [tilespmem:s6+$0x40];
	v3 =	vadd.f32 v4, v3  }
0xce: {  	v4 =	vld [tilespmem:s24+$0x40]  }
0xcf: {  	v8 =	vld [tilespmem:s6+$0xFFFFFF80];
	v2 =	vadd.f32 v5, v2;
	[tilespmem:s26+$0x70] =	vst v3  }
0xd0: {  	v3 =	vld [tilespmem:s6+$0xFFFFFFB0]  }
0xd1: {  	v5 =	vld [tilespmem:s24+$0xFFFFFFB0];
	[tilespmem:s26+$0x0] =	vst v2;
	v1 =	vadd.f32 v7, v1  }
0xd2: {  	v2 =	vld [tilespmem:s6+$0xFFFFFFD0]  }
0xd3: {  	v7 =	vld [tilespmem:s24+$0xFFFFFFD0];
	[tilespmem:s26+$0x20] =	vst v1;
	v0 =	vadd.f32 v4, v0  }
0xd4: {  	v1 =	vadd.f32 v6, v8;
	v4 =	vld [tilespmem:s6+$0xFFFFFFF0]  }
0xd5: {  	v6 =	vld [tilespmem:s24+$0xFFFFFFF0];
	[tilespmem:s26+$0x40] =	vst v0  }
0xd6: {  	[tilespmem:s26+$0xFFFFFF80] =	vst v1;
	v1 =	vadd.f32 v5, v3;
	v0 =	vld [tilespmem:s6+$0x10]  }
0xd7: {  	v5 =	vld [tilespmem:s6+$0xFFFFFF90]  }
0xd8: {  	v8 =	vld [tilespmem:s24+$0xFFFFFF90];
	[tilespmem:s26+$0xFFFFFFB0] =	vst v1;
	v1 =	vadd.f32 v7, v2  }
.Ltmp6:
0xd9: {  	v3 =	vld [tilespmem:s24+$0x10];
	(pc) =	sbr.rel @p0 .LBB2_9-.Ltmp6, $4  }
0xda: {  	[tilespmem:s26+$0xFFFFFFD0] =	vst v1;
	v2 =	vadd.f32 v6, v4;
	v1 =	vld [tilespmem:s6+$0x30]  }
0xdb: {  	v4 =	vld [tilespmem:s24+$0x30]  }
0xdc: {  	[tilespmem:s26+$0xFFFFFFF0] =	vst v2;
	v2 =	vld [tilespmem:s6+$0x50]  }
0xdd: {  	s6 =	sadd.s32 $0x100, s6;
	v6 =	vadd.f32 v8, v5;
	v5 =	vld [tilespmem:s24+$0x50]  }
0xde: {  	_ =	sdelay $0x1  }
0xdf: {  	v0 =	vadd.f32 v3, v0;
	p0 =	seq.s32 s18, $0x18  }
.Ltmp7:
0xe0: {  	[tilespmem:s26+$0xFFFFFF90] =	vst v6;
	v1 =	vadd.f32 v4, v1;
	(pc) =	sbr.rel @p0 .LBB2_12-.Ltmp7, $4  }
0xe1: {  	[tilespmem:s26+$0x10] =	vst v0;
	v63 =	vadd.f32 v5, v2  }
0xe2: {  	[tilespmem:s26+$0x30] =	vst v1  }
0xe3: {  	s6 =	sadd.s32 s9, s20;
	[tilespmem:s26+$0x50] =	vst v63  }
0xe4: {  	[hbm4b:s6+s3] =	stream.linear.scatter [tilespmem:s12], [sflag:$0x4], $0x4000, $0x38;
	[tilespmem:$0x1BD00] =	vst v63  }
0xe5: {  	s6 =	sshra.s32 s20, $0x2  }
0xe6: {  	s20 =	sadd.s32 $0x600, s6  }
0xe7: {  	[tilespmem:s23], [sflag:$0x2] =	stream.indirect.gather [hbm4b:s4+s15], $0x20, s20, s15, $0xb8;
	[tilespmem:$0x1BD00] =	vst v63  }
0xe8: {  	s26 =	sadd.s32 $0x680, s6  }
0xe9: {  	[tilespmem:s25], [sflag:$0x2] =	stream.indirect.gather [hbm4b:s4+s15], $0x20, s26, s15, $0xb8;
	[tilespmem:$0x1BD00] =	vst v63  }
0xea: {  	s29 =	sadd.s32 $0x700, s6  }
0xeb: {  	[tilespmem:s28], [sflag:$0x2] =	stream.indirect.gather [hbm4b:s4+s15], $0x20, s29, s15, $0xb8;
	[tilespmem:$0x1BD00] =	vst v63  }
.Ltmp8:
0xec: {  	_ = 	snop;
	(pc) =	sbr.rel .LBB2_2-.Ltmp8, $4  }
0xed: {  	s24 =	sadd.s32 $0x70, s22;
	s6 =	sadd.s32 $0x780, s6  }
0xee: {  	[tilespmem:s30], [sflag:$0x2] =	stream.indirect.gather [hbm4b:s4+s15], $0x20, s6, s15, $0xb8;
	[tilespmem:$0x1BD00] =	vst v63  }
0xef: {  	p0 =	sgt.s32 s24, $0xC7;
	s6 =	sadd.s32 $0xFFFFFFA8, s22  }
0xf0: {  	s18 =	sadd.s32 $0x1, s18;
	s24 =	smov.u32 @p0 s6  }
.LBB2_13:
0xf1: {  	_ =	sfence.sel $0x180000  }
0xf2: {  	[bflag:$0x0] =	sbarrier.arrive $0xFFFF  }
0xf3: {  	_ =	strace $0x90000047  }
0xf4: {  	s0 =	stileid.u32;
	[bflag:$0x2] =	sbarrier.arrive $0xFFFF  }
0xf5: {  	p0 =	sne.s32 s0, $0x0;
	s0 =	rddreg [dreg:$0x2]  }
0xf6: {  	s0 =	sadd.s32 @!p0 $0x100000, s0  }
0xf7: {  	[sflag:s0] =	ssyncadd.tile.s32 @!p0 $0x1;
	_ =	shalt  }
.Lfunc_end2:
_tile_overlayer_lowered:
.L_overlay_start_2:
0xf8: {  	(tag) =	ssettag $0x2  }
0xf9: {  	s0 =	rddreg [dreg:$0x0];
	s2 =	stileid.u32  }
0xfa: {  	s1 =	rddreg [dreg:$0x1];
	p0 =	sne.s32 s2, $0x0  }
0xfb: {  	s3 =	rddreg [dreg:$0x2];
	[bflag:$0x3] =	sbarrier.arrive $0xFFFF;
	s2 =	simm.s32 @!p0 $0x1C05  }
0xfc: {  	[timem:s3], [sflag:s2] =	dma.local @!p0 [hbm:s0], s1  }
0xfd: {  	s0 =	simm.s32 @!p0 $0x5  }
0xfe: {  	_ =	swait.ge @!p0 [sflag:s0], s1  }
0xff: {  	s1 =	ssub.s32 @!p0 $0x0, s1;
	[sflag:s0] =	ssyncset.done @!p0 $0x0  }
0x100: {  	[sflag:s0] =	ssyncadd.s32 @!p0 s1  }
0x101: {  	[bflag:$0x3] =	sbarrier.arrive $0xFFFF  }
0x102: {  	_ =	shalt  }

// kernel: sparse-core-data-format-call.cloned.1.call-start
scs
called_computation_lowered:
.L_overlay_start_0:
0x0: {  	s2 =	sld [smem:$0x3FD9]  }
0x1: {  	s3 =	sld [smem:$0x3FFE];
	_ =	sdelay $0x1  }
0x2: {  	s1 =	srdreg.scid  }
0x3: {  	s0 =	sand.u32 $0x1, s1  }
0x4: {  	s18 =	sshll.u32 s0, $0xA;
	s2 =	sadd.s32 s3, s2  }
0x5: {  	s2 =	sadd.s32 s2, s18  }
0x6: {  	[smem:$0x3FC5] =	sst s2  }
0x7: {  	_ = 	snop  }
0x8: {  	s2 =	sld [smem:$0x3FD0];
	(tm) =	ssettm $0x1  }
0x9: {  	s19 =	sld [smem:$0x3FFB];
	_ =	sdelay $0x3  }
0xa: {  	_ =	strace s19  }
0xb: {  	s3 =	sld [smem:$0x3FFC];
	_ =	sdelay $0x3  }
0xc: {  	_ =	strace s3  }
0xd: {  	s3 =	sld [smem:$0x3FFD];
	_ =	sdelay $0x3  }
0xe: {  	_ =	strace s3  }
0xf: {  	_ =	strace $0x8FFFFFFF  }
0x10: {  	s20 =	sld [smem:$0x3FDB];
	_ =	sdelay $0x1  }
0x11: {  	s4 =	simm.s32 $_scs_section_size  }
0x12: {  	s5 =	simm.s32 $_size__tile_overlayer_lowered;
	s6 =	simm.s32 $_tile_overlayer_lowered  }
0x13: {  	s23 =	simm.s32 $0x1BFF;
	s22 =	sshll.u32 s6, $0x1;
	s3 =	sadd.s32 s4, s20  }
0x14: {  	s7 =	simm.s32 $0x0;
	s21 =	sshll.u32 s5, $0x1;
	s5 =	sadd.s32 s22, s3  }
0x15: {  	[timem:s7], [sflag:s23] =	dma.local [hbm:s5], s21  }
0x16: {  	_ =	swait.ge [sflag:s23], s21  }
0x17: {  	s4 =	ssub.s32 $0x0, s21;
	[sflag:s23] =	ssyncset.done $0x0  }
0x18: {  	[sflag:s23] =	ssyncadd.s32 s4;
	_ =	sdelay $0x1  }
0x19: {  	s24 =	simm.s32 $0x1B8B  }
0x1a: {  	_ =	swait.ge [sflag:s24], $0x1  }
0x1b: {  	[sflag:s24] =	ssyncset.done $0x0  }
0x1c: {  	s26 =	simm.s32 $0x1B8E;
	s25 =	sld [smem:$0x3FFE];
	[sflag:s24] =	ssyncadd.s32 $0xFFFFFFFF  }
0x1d: {  	s27 =	simm.s32 $execute0_lowered;
	[smem:$0x3FD2] =	sst s26  }
0x1e: {  	s5 =	sshll.u32 s27, $0x1;
	_ =	strace $0x80000049;
	[dreg:$0x1] =	wrdreg $0xFFFFFFFF  }
0x1f: {  	s28 =	simm.s32 $_size_execute0_lowered;
	s3 =	sadd.s32 s3, s5;
	[dreg:$0x0] =	wrdreg $0x0  }
0x20: {  	s5 =	sshll.u32 s28, $0x1;
	[dreg:$0x2] =	wrdreg s3  }
0x21: {  	[dreg:$0x3] =	wrdreg s5  }
0x22: {  	[dreg:$0x4] =	wrdreg $0xC0  }
0x23: {  	_ =	task [dreg:s7], $0x5FFFF  }
0x24: {  	[dreg:$0x1] =	wrdreg $0xFFFFFFFF  }
0x25: {  	[dreg:$0x0] =	wrdreg $0x60  }
0x26: {  	[dreg:$0x2] =	wrdreg s25  }
0x27: {  	[dreg:$0x3] =	wrdreg s2  }
0x28: {  	[dreg:$0x4] =	wrdreg $0x9  }
0x29: {  	_ =	task.clear_ibuf [dreg:s7], $0x5FFFF;
	_ =	strace $0x90000049  }
0x2a: {  	s29 =	simm.s32 $0x9;
	_ =	strace $0x8000004B  }
0x2b: {  	_ =	swait.ge [sflag:s29], $0x1  }
0x2c: {  	[sflag:s29] =	ssyncadd.s32 $0xFFFFFFFF  }
0x2d: {  	_ =	strace $0x9000004B  }
0x2e: {  	_ =	sfence  }
0x2f: {  	s30 =	sld [smem:$0x0];
	_ =	sdelay $0x2  }
0x30: {  	s31 =	sshll.u32 s1, $0xD;
	s1 =	sshrl.u32 s1, $0x2  }
0x31: {  	s3 =	sand.u32 $0x4000, s31;
	s1 =	sadd.s32 s1, s30  }
0x32: {  	s0 =	sor.u32 s3, s0;
	s1 =	sshll.u32 s1, $0x11  }
0x33: {  	s0 =	sor.u32 s1, s0  }
0x34: {  	s0 =	sadd.s32 $0x8F2B, s0  }
0x35: {  	[sflag:s0] =	ssyncadd.remote.s32 $0x1  }
0x36: {  	_ =	sfence.sel $0xFFFF  }
0x37: {  	[dreg:$0x0] =	wrdreg $0xFFFFFFFF;
	(pc) =	sbr.abs _section_cstart, $3  }
0x38: {  	[dreg:$0x1] =	wrdreg $0xFFFFFFFF  }
0x39: {  	_ =	task.clear_ibuf [dreg:s7], $0x2FFFF;
	_ =	strace $0x9FFFFFFF  }
0x3a: {  	(tm) =	ssettm $0x7FFFFFFF  }
0x3b: {  	_ =	shalt  }
tec
execute0_lowered:
.L_overlay_start_1:
0x0: {  	(tag) =	ssettag $0x1  }
0x1: {  	s0 =	srdreg.scid  }
0x2: {  	s1 =	sshll.u32 s0, $0x4  }
0x3: {  	s0 =	stileid.u32;
	s1 =	sand.u32 $0x10, s1  }
0x4: {  	s1 =	sor.u32 s0, s1  }
0x5: {  	s6 =	rddreg [dreg:$0x0];
	s4 =	simm.s32 $0x1;
	s2 =	sshll.u32 s1, $0x7  }
0x6: {  	s7 =	simm.s32 $0x2;
	s12 =	simm.s32 $0x0;
	s1 =	ssub.s32 $0x1000, s2  }
0x7: {  	s8 =	simm.s32 $0x8000;
	s13 =	simm.s32 $0x0;
	s3 =	sand.u32 $0xF80, s1  }
0x8: {  	s9 =	simm.s32 $0x0;
	s5 =	sshrl.u32 s1, $0xC;
	p0 =	sne.s32 s3, $0x0  }
.Ltmp0:
0x9: {  	s1 =	rddreg [dreg:$0x2];
	s4 =	simm.s32 @!p0 $0x0;
	(pc) =	sbr.rel .LBB1_1-.Ltmp0, $4  }
0xa: {  	s11 =	simm.s32 $0x0;
	s3 =	rddreg [dreg:$0x1];
	s5 =	sadd.s32 s4, s5  }
0xb: {  	_ =	strace $0x8000004A;
	s4 =	simm.s32 $0x1;
	s5 =	smul.u32 $0xC8, s5  }
0xc: {  	s6 =	sadd.s32 $0xC00, s6;
	s10 =	smov.u32 s2;
	[sflag:s4] =	ssyncpa.u1 $0x0  }
0xd: {  	p0 =	por $0x0, $0x0;
	[sflag:s7] =	ssyncpa.u1 $0x0;
	s7 =	sor.u32 $0x1, s5  }
.LBB1_4:
0xe: {  	s16 =	sshll.u32 s13, $0x3;
	s17 =	sand.u32 $0x78, s13  }
0xf: {  	s30 =	sand.u32 $0x3E00, s13;
	s12 =	sshll.u32 s12, $0xE;
	s16 =	sand.u32 $0xC00, s16  }
0x10: {  	s31 =	sand.u32 $0x7, s13;
	s16 =	sor.u32 s17, s16;
	s17 =	sadd.s32 s3, s30  }
0x11: {  	s13 =	sshll.u32 s31, $0x12;
	s16 =	sshrl.u32 s16, $0x3;
	s12 =	sadd.s32 s12, s17  }
0x12: {  	[tilespmem:s15+$0x0 ss:$0x81] =	vst.msk $0xffff, v0;
	s13 =	sor.u32 $0x400, s13;
	s12 =	sadd.s32 s16, s12  }
0x13: {  	[hbm4b:s12+s13] =	stream.strided.scatter [tilespmem:s14], [sflag:$0x2], $0x1000, s8, s13, $0x20;
	[tilespmem:$0x4040] =	vst v63  }
.LBB1_5:
0x14: {  	s14 =	sadd.s32 $0x1, s9  }
0x15: {  	s12 =	sadd.s32 $0x1000, s10;
	s16 =	smov.u32 s10;
	p2 =	sgt.s32 s14, $0xC7  }
0x16: {  	s16 =	smov.u32 @p2 s12  }
0x17: {  	s14 =	simm.s32 @p2 $0x0;
	p2 =	sgt.s32 s16, $0xFFF  }
0x18: {  	s16 =	smov.u32 @p2 s2;
	p2 =	sne.s32 s11, s7  }
.Ltmp1:
0x19: {  	p1 =	slt.u32 s11, $0x2;
	(pc) =	sbr.rel @!p2 .LBB1_6-.Ltmp1, $4  }
0x1a: {  	s15 =	simm.s32 @!p1 $0x2  }
0x1b: {  	s13 =	smov.u32 s10;
	p0 =	por !p0, !p0;
	_ =	swait.ge @!p1 [sflag:s15], $0x1000  }
0x1c: {  	s12 =	smov.u32 s9;
	[sflag:s15] =	ssyncset.done @!p1 $0x0;
	s9 =	smov.u32 s14  }
0x1d: {  	s11 =	sadd.s32 $0x1, s11;
	[sflag:s15] =	ssyncadd.s32 @!p1 $0xFFFFF000;
	s10 =	smov.u32 s16  }
.LBB1_1:
0x1e: {  	p1 =	sge.u32 s11, s5  }
0x1f: {  	s14 =	sand.u32 @!p1 $0x1FFFFFF, s9  }
0x20: {  	s15 =	smulhi.u32 @!p1 $0x147AE15, s14;
	_ =	sdelay $0x1  }
0x21: {  	s15 =	smul.u32 @!p1 $0xC8, s15  }
0x22: {  	s16 =	sxor.u32 @!p1 $0xFFFFFFFF, s11;
	s17 =	smul.u32 @!p1 $0xC80, s10  }
0x23: {  	s31 =	sadd.s32 $0xFFFFFFFF, s11;
	s16 =	sshll.u32 @!p1 s16, $0xC;
	s14 =	ssub.s32 @!p1 s14, s15  }
0x24: {  	s15 =	sand.u32 @!p1 $0x1000, s16;
	s16 =	sadd.s32 @!p1 s6, s17;
	s14 =	sshll.u32 @!p1 s14, $0x4  }
0x25: {  	s17 =	simm.s32 @!p1 $0x6400;
	s14 =	sadd.s32 @!p1 s14, s16;
	s16 =	simm.s32 @!p1 $0x20  }
0x26: {  	[tilespmem:s15], [sflag:$0x1] =	stream.strided.gather @!p1 [hbm4b:s14+s16], $0x1000, s17, s16, $0x38;
	[tilespmem:$0x4040] =	vst v63  }
0x27: {  	p1 =	sge.u32 s31, s5  }
.Ltmp2:
0x28: {  	_ = 	snop;
	(pc) =	sbr.rel @p1 .LBB1_5-.Ltmp2, $1  }
0x29: {  	_ =	sdelay $0x3  }
0x2a: {  	s14 =	simm.s32 $0x1  }
0x2b: {  	_ =	swait.ge [sflag:s4], $0x1000;
	s14 =	simm.s32 @!p0 $0x0  }
0x2c: {  	[sflag:s4] =	ssyncset.done $0x0;
	s15 =	sshll.u32 s14, $0xC  }
0x2d: {  	[sflag:s4] =	ssyncadd.s32 $0xFFFFF000;
	s18 =	sor.u32 $0x10, s15  }
0x2e: {  	s14 =	smul.u32 $0x4080, s14;
	v1 =	vld [tilespmem:s18+$0x0]  }
0x2f: {  	s30 =	sand.u32 $0x1, s11;
	v0 =	vld [tilespmem:s18+$0xFFFFFFF0]  }
0x30: {  	s15 =	smul.u32 $0x4080, s30;
	s14 =	sshrl.u32 s14, $0x2  }
0x31: {  	s16 =	sor.u32 $0x2000, s14  }
0x32: {  	s31 =	sshrl.u32 s15, $0x2;
	s15 =	sadd.s32 $0x0, s16  }
0x33: {  	s17 =	simm.s32 $0x4;
	s18 =	sadd.s32 $0x20, s18;
	s14 =	sor.u32 $0x2000, s31;
	[tilespmem:s15+$0x810 ss:$0x81] =	vst.msk $0xffff, v1  }
.LBB1_3:
0x34: {  	v1 =	vld [tilespmem:s18+$0x0];
	p1 =	sne.s32 s17, $0x1FC;
	[tilespmem:s15+$0x0 ss:$0x81] =	vst.msk $0xffff, v0;
	s15 =	smov.u32 s17;
	s17 =	sadd.s32 $0x4, s17  }
.Ltmp3:
0x35: {  	v0 =	vld [tilespmem:s18+$0xFFFFFFF0];
	(pc) =	sbr.rel @p1 .LBB1_3-.Ltmp3, $4  }
0x36: {  	_ = 	snop  }
0x37: {  	s15 =	sshra.s32 s15, $0x2  }
0x38: {  	s15 =	sadd.s32 s15, s16  }
0x39: {  	s18 =	sadd.s32 $0x20, s18;
	[tilespmem:s15+$0x810 ss:$0x81] =	vst.msk $0xffff, v1  }
.Ltmp4:
0x3a: {  	_ = 	snop;
	(pc) =	sbr.rel .LBB1_4-.Ltmp4, $1  }
0x3b: {  	_ =	sdelay $0x3  }
.LBB1_6:
0x3c: {  	_ =	sfence.sel $0x180000  }
0x3d: {  	s2 =	simm.s32 $0x1;
	[bflag:$0x0] =	sbarrier.arrive $0xFFFF  }
0x3e: {  	s31 =	simm.s32 $0x2;
	[sflag:s2] =	ssyncpa.u1 $0x1  }
0x3f: {  	[sflag:s31] =	ssyncpa.u1 $0x1  }
0x40: {  	p0 =	sne.s32 s0, $0x0;
	_ =	strace $0x9000004A  }
0x41: {  	s0 =	sadd.s32 @!p0 $0x100000, s1;
	[bflag:$0x2] =	sbarrier.arrive $0xFFFF  }
0x42: {  	[sflag:s0] =	ssyncadd.tile.s32 @!p0 $0x1;
	_ =	shalt  }
.Lfunc_end1:
_tile_overlayer_lowered:
.L_overlay_start_2:
0x43: {  	(tag) =	ssettag $0x2  }
0x44: {  	s0 =	rddreg [dreg:$0x0];
	s2 =	stileid.u32  }
0x45: {  	s1 =	rddreg [dreg:$0x1];
	p0 =	sne.s32 s2, $0x0  }
0x46: {  	s3 =	rddreg [dreg:$0x2];
	[bflag:$0x3] =	sbarrier.arrive $0xFFFF;
	s2 =	simm.s32 @!p0 $0x1C01  }
0x47: {  	[timem:s3], [sflag:s2] =	dma.local @!p0 [hbm:s0], s1  }
0x48: {  	s0 =	simm.s32 @!p0 $0x1  }
0x49: {  	_ =	swait.ge @!p0 [sflag:s0], s1  }
0x4a: {  	s1 =	ssub.s32 @!p0 $0x0, s1;
	[sflag:s0] =	ssyncset.done @!p0 $0x0  }
0x4b: {  	[sflag:s0] =	ssyncadd.s32 @!p0 s1  }
0x4c: {  	[bflag:$0x3] =	sbarrier.arrive $0xFFFF  }
0x4d: {  	_ =	shalt  }

</sc_bundles>
